<compile_context>
chip_gen: v7x
topology: tpu7x:2x2x1
jax: 0.10.2.dev20260603
libtpu: 0.0.44.dev20260713+nightly
codegen_flags: <defaults>
</compile_context>

<pallas_src>
import functools

import jax
import jax.numpy as jnp
from jax import lax
from jax.experimental import pallas as pl
from jax.experimental.pallas import tpu as pltpu
from jax.experimental.pallas import tpu_sc as plsc

HOT_NUMS = 50000
HASH_SIZE = 450000
EMBED_DIM = 64
LANES = 16
IDX_CHUNK = 128


@functools.cache
def _build(B, D):
    info = plsc.get_sparse_core_info()
    NC, NS = info.num_cores, info.num_subcores
    NW = NC * NS
    bpw = B // NW
    n_chunks = bpw // IDX_CHUNK
    mesh = plsc.VectorSubcoreMesh(core_axis_name="c", subcore_axis_name="s")

    @functools.partial(
        pl.kernel,
        mesh=mesh,
        out_type=jax.ShapeDtypeStruct((B, D), jnp.float32),
        compiler_params=pltpu.CompilerParams(use_tc_tiling_on_sc=False),
        scratch_types=[
            pltpu.VMEM((bpw,), jnp.int32),
            pltpu.VMEM((n_chunks, IDX_CHUNK), jnp.int32),
            pltpu.VMEM((n_chunks, IDX_CHUNK), jnp.int32),
            pltpu.VMEM((bpw, D), jnp.float32),
            pltpu.VMEM((bpw, D), jnp.float32),
            pltpu.SemaphoreType.DMA,
            pltpu.SemaphoreType.DMA,
        ],
    )
    def sc_kernel(in_hbm, wh_hbm, whash_hbm, out_hbm,
                  ids_v, hot_v, cold_v, hrows, crows, sem_h, sem_c):
        wid = lax.axis_index("s") * NC + lax.axis_index("c")
        base = wid * bpw
        pltpu.sync_copy(in_hbm.at[pl.ds(base, bpw)], ids_v)

        def idx_body(g, carry):
            v = ids_v[pl.ds(g * LANES, LANES)]
            d = jnp.abs(v)
            chunk = g // (IDX_CHUNK // LANES)
            off = lax.rem(g * LANES, IDX_CHUNK)
            hot_v[chunk, pl.ds(off, LANES)] = lax.rem(d, HOT_NUMS)
            cold_v[chunk, pl.ds(off, LANES)] = lax.rem(d, HASH_SIZE)
            return carry

        lax.fori_loop(0, bpw // LANES, idx_body, 0)

        for k in range(n_chunks):
            pltpu.async_copy(
                wh_hbm.at[hot_v.at[k]],
                hrows.at[pl.ds(k * IDX_CHUNK, IDX_CHUNK)], sem_h)
            pltpu.async_copy(
                whash_hbm.at[cold_v.at[k]],
                crows.at[pl.ds(k * IDX_CHUNK, IDX_CHUNK)], sem_c)
        pltpu.make_async_copy(wh_hbm.at[pl.ds(0, bpw)], hrows, sem_h).wait()
        pltpu.make_async_copy(whash_hbm.at[pl.ds(0, bpw)], crows, sem_c).wait()

        def sel_body(g, carry):
            m = lax.rem(ids_v[pl.ds(g * LANES, LANES)], 10)
            for l in range(LANES):
                j = g * LANES + l
                hot = m[l] == 0
                for c in range(D // LANES):
                    h = hrows[j, pl.ds(c * LANES, LANES)]
                    cl = crows[j, pl.ds(c * LANES, LANES)]
                    crows[j, pl.ds(c * LANES, LANES)] = jnp.where(hot, h, cl)
            return carry

        lax.fori_loop(0, bpw // LANES, sel_body, 0)
        pltpu.sync_copy(crows, out_hbm.at[pl.ds(base, bpw)])

    return sc_kernel


def kernel(input, offsets, weight_h, weight_hash):
    del offsets
    B = input.shape[0]
    return _build(B, EMBED_DIM)(input, weight_h, weight_hash)

# --- scband reference (transcript-rebuilt; emitter-appended) ---
"""Pipeline reference for scband-skembedding-bag-24704651886800 (READ-ONLY COPY).

The authoritative reference and input builder live on the scoring server;
editing this copy changes nothing except your own understanding.
"""

import jax, jax.numpy as jnp
import numpy as np

NUM_CATEGORIES = 1000000
HOT_NUMS = 50000      # num_categories * compress_rate(0.5) * hot_rate(0.1)
HASH_SIZE = 450000    # num_categories * compress_rate(0.5) * (1 - hot_rate)
EMBED_DIM = 64
BATCH = 16384


def setup_inputs(seed: int = 0) -> dict:
    key = jax.random.key(seed)
    k1, k2, k3 = jax.random.split(key, 3)
    inp = jax.random.randint(k1, (BATCH,), 0, NUM_CATEGORIES, dtype=jnp.int32)
    offsets = jnp.arange(BATCH, dtype=jnp.int32)  # bag size 1 per bag
    bound = float(np.sqrt(1.0 / NUM_CATEGORIES))
    weight_h = jax.random.uniform(k2, (HOT_NUMS, EMBED_DIM), minval=-bound, maxval=bound, dtype=jnp.float32)
    weight_hash = jax.random.uniform(k3, (HASH_SIZE, EMBED_DIM), minval=-bound, maxval=bound, dtype=jnp.float32)
    return {"input": inp, "offsets": offsets, "weight_h": weight_h, "weight_hash": weight_hash}


def reference(input, offsets, weight_h, weight_hash):
    # self.query(input): the C sketch returns (dic_mask, dic). We model the sketch
    # deterministically: ~hot_rate fraction of ids are 'hot' (dic_mask True), and
    # dic is the (abs) sketch id, modeled as the raw id.
    dic = jnp.abs(input)
    dic_mask = (input % 10) == 0  # hot_rate = 0.1 fraction marked hot

    N = dic.shape[0]
    B = offsets.shape[0]

    # F.embedding_bag(..., mode='mean') equivalent: gather rows then segment-mean per bag
    rows_high = jnp.take(weight_h, dic % HOT_NUMS, axis=0)
    rows_hash = jnp.take(weight_hash, dic % HASH_SIZE, axis=0)

    seg_ids = jnp.searchsorted(offsets, jnp.arange(N, dtype=offsets.dtype), side='right') - 1
    embed_high = jax.ops.segment_sum(rows_high, seg_ids, num_segments=B)
    embed_hash = jax.ops.segment_sum(rows_hash, seg_ids, num_segments=B)
    counts = jax.ops.segment_sum(jnp.ones((N,), dtype=jnp.float32), seg_ids, num_segments=B)
    counts = jnp.maximum(counts, 1.0)
    embed_high = embed_high / counts[:, None]
    embed_hash = embed_hash / counts[:, None]

    # torch.where(dic_mask.unsqueeze(1), embed_high, embed_hash) -- valid since N == B here
    embed = jnp.where(dic_mask[:, None], embed_high, embed_hash)
    return embed

if __name__ == "__main__":
    import jax
    _d = setup_inputs()
    print(jax.jit(kernel)(*tuple(_d.values())))

</pallas_src>

<mosaic_0001>
#map = affine_map<(d0, d1) -> (0)>
#map1 = affine_map<(d0, d1) -> (0, 0)>
module attributes {stable_mosaic.version = 14 : i64} {
  func.func @sc_kernel(%arg0: i32, %arg1: i32, %arg2: memref<16384xi32, #tpu.memory_space<hbm>>, %arg3: memref<50000x64xf32, #tpu.memory_space<hbm>>, %arg4: memref<450000x64xf32, #tpu.memory_space<hbm>>, %arg5: memref<16384x64xf32, #tpu.memory_space<hbm>>, %arg6: memref<512xi32, #tpu.memory_space<vmem>>, %arg7: memref<4x128xi32, #tpu.memory_space<vmem>>, %arg8: memref<4x128xi32, #tpu.memory_space<vmem>>, %arg9: memref<512x64xf32, #tpu.memory_space<vmem>>, %arg10: memref<512x64xf32, #tpu.memory_space<vmem>>, %arg11: memref<!tpu.dma_semaphore, #tpu.memory_space<semaphore_mem>>, %arg12: memref<!tpu.dma_semaphore, #tpu.memory_space<semaphore_mem>>) attributes {dimension_semantics = [#tpu.dimension_semantics<core_parallel>, #tpu.dimension_semantics<subcore_parallel>], iteration_bounds = array<i64: 2, 16>, scalar_prefetch = 0 : i64, scratch_operands = 7 : i64, tpu.core_type = #tpu.core_type<sc_vector_subcore>, window_params = [{transform_indices = #map}, {transform_indices = #map1}, {transform_indices = #map1}, {transform_indices = #map1}]} {
    %mul3A = arith.constant 2 : i32
    %mul3A_0 = arith.muli %arg1, %mul3A : i32
    %add3A = arith.addi %mul3A_0, %arg0 : i32
    %mul3A_1 = arith.constant 512 : i32
    %mul3A_2 = arith.muli %add3A, %mul3A_1 : i32
    "tpu.region"() ({
      %run_scoped3A = tpu.sem_alloc : memref<!tpu.dma_semaphore, #tpu.memory_space<semaphore_mem>>
      %dma_start3A_104 = tpu.memref_slice %arg2[%mul3A_2] : memref<16384xi32, #tpu.memory_space<hbm>> -> memref<512xi32, #tpu.memory_space<hbm>>
      %dma_start3A_105 = tpu.memref_slice %arg2[%mul3A_2] : memref<16384xi32, #tpu.memory_space<hbm>> -> memref<512xi32, #tpu.memory_space<hbm>>
      tpu.enqueue_dma source(%dma_start3A_105 : memref<512xi32, #tpu.memory_space<hbm>>) target(%arg6 : memref<512xi32, #tpu.memory_space<vmem>>) target_semaphore(%run_scoped3A : memref<!tpu.dma_semaphore, #tpu.memory_space<semaphore_mem>>)
      %dma_wait3A_106 = tpu.memref_slice %arg2[%mul3A_2] : memref<16384xi32, #tpu.memory_space<hbm>> -> memref<512xi32, #tpu.memory_space<hbm>>
      %dma_wait3A_107 = tpu.memref_slice %arg2[%mul3A_2] : memref<16384xi32, #tpu.memory_space<hbm>> -> memref<512xi32, #tpu.memory_space<hbm>>
      tpu.wait_dma2 semaphore(%run_scoped3A : memref<!tpu.dma_semaphore, #tpu.memory_space<semaphore_mem>>) src(%dma_wait3A_107 : memref<512xi32, #tpu.memory_space<hbm>>) dst(%arg6 : memref<512xi32, #tpu.memory_space<vmem>>)
      tpu.yield
    }) : () -> ()
    %scan3A = arith.constant 0 : i32
    %scan3A_3 = arith.constant 0 : i32
    %scan3A_4 = arith.constant 32 : i32
    %scan3A_5 = arith.addi %scan3A_3, %scan3A_4 : i32
    %scan3A_6 = arith.constant 1 : i32
    scf.for %scan3A_104 = %scan3A_3 to %scan3A_5 step %scan3A_6  : i32 {
      %mul3A_105 = arith.constant 16 : i32
      %mul3A_106 = arith.muli %scan3A_104, %mul3A_105 : i32
      %get3A = arith.index_cast %mul3A_106 : i32 to index
      %get3A_107 = tpu.vector_load %arg6[%get3A] {strides = array<i32>} : memref<512xi32, #tpu.memory_space<vmem>>, vector<16xi32>,
      %get3A_108 = vector.shape_cast %get3A_107 : vector<16xi32> to vector<16xi32>
      %abs3A = math.absi %get3A_108 : vector<16xi32>
      %jit3A = arith.constant 8 : i32
      %div3A = arith.divsi %scan3A_104, %jit3A : i32
      %sign3A = arith.constant 0 : i32
      %sign3A_109 = arith.cmpi sgt, %scan3A_104, %sign3A : i32
      %sign3A_110 = arith.extui %sign3A_109 : i1 to i32
      %sign3A_111 = arith.constant 0 : i32
      %sign3A_112 = arith.cmpi slt, %scan3A_104, %sign3A_111 : i32
      %sign3A_113 = arith.extui %sign3A_112 : i1 to i32
      %sign3A_114 = arith.subi %sign3A_110, %sign3A_113 : i32
      %sign3A_115 = arith.constant 0 : i32
      %sign3A_116 = arith.cmpi sgt, %jit3A, %sign3A_115 : i32
      %sign3A_117 = arith.extui %sign3A_116 : i1 to i32
      %sign3A_118 = arith.constant 0 : i32
      %sign3A_119 = arith.cmpi slt, %jit3A, %sign3A_118 : i32
      %sign3A_120 = arith.extui %sign3A_119 : i1 to i32
      %sign3A_121 = arith.subi %sign3A_117, %sign3A_120 : i32
      %ne3A = arith.cmpi ne, %sign3A_114, %sign3A_121 : i32
      %rem3A = arith.remsi %scan3A_104, %jit3A : i32
      %ne3A_122 = arith.constant 0 : i32
      %ne3A_123 = arith.cmpi ne, %rem3A, %ne3A_122 : i32
      %and3A = arith.andi %ne3A, %ne3A_123 : i1
      %sub3A = arith.constant 1 : i32
      %sub3A_124 = arith.subi %div3A, %sub3A : i32
      %select_n3A = arith.select %and3A, %sub3A_124, %div3A : i32
      %mul3A_125 = arith.constant 16 : i32
      %mul3A_126 = arith.muli %scan3A_104, %mul3A_125 : i32
      %rem3A_127 = arith.constant 128 : i32
      %rem3A_128 = arith.remsi %mul3A_126, %rem3A_127 : i32
      %rem3A_129 = arith.constant 50000 : i32
      %rem3A_130 = vector.broadcast %rem3A_129 : i32 to vector<16xi32>
      %rem3A_131 = arith.remsi %abs3A, %rem3A_130 : vector<16xi32>
      %swap3A = arith.index_cast %select_n3A : i32 to index
      %swap3A_132 = arith.index_cast %rem3A_128 : i32 to index
      %swap3A_133 = tpu.vector_load %arg7[%swap3A, %swap3A_132] {strides = array<i32>} : memref<4x128xi32, #tpu.memory_space<vmem>>, vector<1x16xi32>,
      %swap3A_134 = vector.shape_cast %swap3A_133 : vector<1x16xi32> to vector<16xi32>
      %swap3A_135 = vector.shape_cast %rem3A_131 : vector<16xi32> to vector<1x16xi32>
      tpu.vector_store %arg7[%swap3A, %swap3A_132], %swap3A_135 {strides = array<i32>} : memref<4x128xi32, #tpu.memory_space<vmem>>, vector<1x16xi32>,
      %rem3A_136 = arith.constant 450000 : i32
      %rem3A_137 = vector.broadcast %rem3A_136 : i32 to vector<16xi32>
      %rem3A_138 = arith.remsi %abs3A, %rem3A_137 : vector<16xi32>
      %swap3A_139 = arith.index_cast %select_n3A : i32 to index
      %swap3A_140 = arith.index_cast %rem3A_128 : i32 to index
      %swap3A_141 = tpu.vector_load %arg8[%swap3A_139, %swap3A_140] {strides = array<i32>} : memref<4x128xi32, #tpu.memory_space<vmem>>, vector<1x16xi32>,
      %swap3A_142 = vector.shape_cast %swap3A_141 : vector<1x16xi32> to vector<16xi32>
      %swap3A_143 = vector.shape_cast %rem3A_138 : vector<16xi32> to vector<1x16xi32>
      tpu.vector_store %arg8[%swap3A_139, %swap3A_140], %swap3A_143 {strides = array<i32>} : memref<4x128xi32, #tpu.memory_space<vmem>>, vector<1x16xi32>,
    }
    %scan3A_7 = arith.constant 32 : i32
    %dma_start3A = arith.constant 0 : i32
    %dma_start3A_8 = arith.constant 0 : i32
    %dma_start3A_9 = arith.constant 0 : i32
    %dma_start3A_10 = tpu.memref_slice %arg9[%dma_start3A_8, %dma_start3A_9] : memref<512x64xf32, #tpu.memory_space<vmem>> -> memref<128x64xf32, #tpu.memory_space<vmem>>
    %dma_start3A_11 = arith.constant 0 : i32
    %dma_start3A_12 = tpu.memref_slice %arg7[%dma_start3A, %dma_start3A_11] : memref<4x128xi32, #tpu.memory_space<vmem>> -> memref<1x128xi32, #tpu.memory_space<vmem>>
    %dma_start3A_13 = tpu.memref_squeeze %dma_start3A_12 : memref<1x128xi32, #tpu.memory_space<vmem>> -> memref<128xi32, #tpu.memory_space<vmem>>
    %dma_start3A_14 = arith.constant 0 : i32
    %dma_start3A_15 = arith.constant 0 : i32
    %dma_start3A_16 = tpu.memref_slice %arg3[%dma_start3A_14, %dma_start3A_15] : memref<50000x64xf32, #tpu.memory_space<hbm>> -> memref<50000x64xf32, #tpu.memory_space<hbm>>
    tpu.enqueue_indirect_dma source(%dma_start3A_16 : memref<50000x64xf32, #tpu.memory_space<hbm>>) target(%dma_start3A_10 : memref<128x64xf32, #tpu.memory_space<vmem>>) offsets(%dma_start3A_13 : memref<128xi32, #tpu.memory_space<vmem>>) semaphore(%arg11 : memref<!tpu.dma_semaphore, #tpu.memory_space<semaphore_mem>>)
    %dma_start3A_17 = arith.constant 0 : i32
    %dma_start3A_18 = arith.constant 0 : i32
    %dma_start3A_19 = arith.constant 0 : i32
    %dma_start3A_20 = tpu.memref_slice %arg10[%dma_start3A_18, %dma_start3A_19] : memref<512x64xf32, #tpu.memory_space<vmem>> -> memref<128x64xf32, #tpu.memory_space<vmem>>
    %dma_start3A_21 = arith.constant 0 : i32
    %dma_start3A_22 = tpu.memref_slice %arg8[%dma_start3A_17, %dma_start3A_21] : memref<4x128xi32, #tpu.memory_space<vmem>> -> memref<1x128xi32, #tpu.memory_space<vmem>>
    %dma_start3A_23 = tpu.memref_squeeze %dma_start3A_22 : memref<1x128xi32, #tpu.memory_space<vmem>> -> memref<128xi32, #tpu.memory_space<vmem>>
    %dma_start3A_24 = arith.constant 0 : i32
    %dma_start3A_25 = arith.constant 0 : i32
    %dma_start3A_26 = tpu.memref_slice %arg4[%dma_start3A_24, %dma_start3A_25] : memref<450000x64xf32, #tpu.memory_space<hbm>> -> memref<450000x64xf32, #tpu.memory_space<hbm>>
    tpu.enqueue_indirect_dma source(%dma_start3A_26 : memref<450000x64xf32, #tpu.memory_space<hbm>>) target(%dma_start3A_20 : memref<128x64xf32, #tpu.memory_space<vmem>>) offsets(%dma_start3A_23 : memref<128xi32, #tpu.memory_space<vmem>>) semaphore(%arg12 : memref<!tpu.dma_semaphore, #tpu.memory_space<semaphore_mem>>)
    %dma_start3A_27 = arith.constant 1 : i32
    %dma_start3A_28 = arith.constant 128 : i32
    %dma_start3A_29 = arith.constant 0 : i32
    %dma_start3A_30 = tpu.memref_slice %arg9[%dma_start3A_28, %dma_start3A_29] : memref<512x64xf32, #tpu.memory_space<vmem>> -> memref<128x64xf32, #tpu.memory_space<vmem>>
    %dma_start3A_31 = arith.constant 0 : i32
    %dma_start3A_32 = tpu.memref_slice %arg7[%dma_start3A_27, %dma_start3A_31] : memref<4x128xi32, #tpu.memory_space<vmem>> -> memref<1x128xi32, #tpu.memory_space<vmem>>
    %dma_start3A_33 = tpu.memref_squeeze %dma_start3A_32 : memref<1x128xi32, #tpu.memory_space<vmem>> -> memref<128xi32, #tpu.memory_space<vmem>>
    %dma_start3A_34 = arith.constant 0 : i32
    %dma_start3A_35 = arith.constant 0 : i32
    %dma_start3A_36 = tpu.memref_slice %arg3[%dma_start3A_34, %dma_start3A_35] : memref<50000x64xf32, #tpu.memory_space<hbm>> -> memref<50000x64xf32, #tpu.memory_space<hbm>>
    tpu.enqueue_indirect_dma source(%dma_start3A_36 : memref<50000x64xf32, #tpu.memory_space<hbm>>) target(%dma_start3A_30 : memref<128x64xf32, #tpu.memory_space<vmem>>) offsets(%dma_start3A_33 : memref<128xi32, #tpu.memory_space<vmem>>) semaphore(%arg11 : memref<!tpu.dma_semaphore, #tpu.memory_space<semaphore_mem>>)
    %dma_start3A_37 = arith.constant 1 : i32
    %dma_start3A_38 = arith.constant 128 : i32
    %dma_start3A_39 = arith.constant 0 : i32
    %dma_start3A_40 = tpu.memref_slice %arg10[%dma_start3A_38, %dma_start3A_39] : memref<512x64xf32, #tpu.memory_space<vmem>> -> memref<128x64xf32, #tpu.memory_space<vmem>>
    %dma_start3A_41 = arith.constant 0 : i32
    %dma_start3A_42 = tpu.memref_slice %arg8[%dma_start3A_37, %dma_start3A_41] : memref<4x128xi32, #tpu.memory_space<vmem>> -> memref<1x128xi32, #tpu.memory_space<vmem>>
    %dma_start3A_43 = tpu.memref_squeeze %dma_start3A_42 : memref<1x128xi32, #tpu.memory_space<vmem>> -> memref<128xi32, #tpu.memory_space<vmem>>
    %dma_start3A_44 = arith.constant 0 : i32
    %dma_start3A_45 = arith.constant 0 : i32
    %dma_start3A_46 = tpu.memref_slice %arg4[%dma_start3A_44, %dma_start3A_45] : memref<450000x64xf32, #tpu.memory_space<hbm>> -> memref<450000x64xf32, #tpu.memory_space<hbm>>
    tpu.enqueue_indirect_dma source(%dma_start3A_46 : memref<450000x64xf32, #tpu.memory_space<hbm>>) target(%dma_start3A_40 : memref<128x64xf32, #tpu.memory_space<vmem>>) offsets(%dma_start3A_43 : memref<128xi32, #tpu.memory_space<vmem>>) semaphore(%arg12 : memref<!tpu.dma_semaphore, #tpu.memory_space<semaphore_mem>>)
    %dma_start3A_47 = arith.constant 2 : i32
    %dma_start3A_48 = arith.constant 256 : i32
    %dma_start3A_49 = arith.constant 0 : i32
    %dma_start3A_50 = tpu.memref_slice %arg9[%dma_start3A_48, %dma_start3A_49] : memref<512x64xf32, #tpu.memory_space<vmem>> -> memref<128x64xf32, #tpu.memory_space<vmem>>
    %dma_start3A_51 = arith.constant 0 : i32
    %dma_start3A_52 = tpu.memref_slice %arg7[%dma_start3A_47, %dma_start3A_51] : memref<4x128xi32, #tpu.memory_space<vmem>> -> memref<1x128xi32, #tpu.memory_space<vmem>>
    %dma_start3A_53 = tpu.memref_squeeze %dma_start3A_52 : memref<1x128xi32, #tpu.memory_space<vmem>> -> memref<128xi32, #tpu.memory_space<vmem>>
    %dma_start3A_54 = arith.constant 0 : i32
    %dma_start3A_55 = arith.constant 0 : i32
    %dma_start3A_56 = tpu.memref_slice %arg3[%dma_start3A_54, %dma_start3A_55] : memref<50000x64xf32, #tpu.memory_space<hbm>> -> memref<50000x64xf32, #tpu.memory_space<hbm>>
    tpu.enqueue_indirect_dma source(%dma_start3A_56 : memref<50000x64xf32, #tpu.memory_space<hbm>>) target(%dma_start3A_50 : memref<128x64xf32, #tpu.memory_space<vmem>>) offsets(%dma_start3A_53 : memref<128xi32, #tpu.memory_space<vmem>>) semaphore(%arg11 : memref<!tpu.dma_semaphore, #tpu.memory_space<semaphore_mem>>)
    %dma_start3A_57 = arith.constant 2 : i32
    %dma_start3A_58 = arith.constant 256 : i32
    %dma_start3A_59 = arith.constant 0 : i32
    %dma_start3A_60 = tpu.memref_slice %arg10[%dma_start3A_58, %dma_start3A_59] : memref<512x64xf32, #tpu.memory_space<vmem>> -> memref<128x64xf32, #tpu.memory_space<vmem>>
    %dma_start3A_61 = arith.constant 0 : i32
    %dma_start3A_62 = tpu.memref_slice %arg8[%dma_start3A_57, %dma_start3A_61] : memref<4x128xi32, #tpu.memory_space<vmem>> -> memref<1x128xi32, #tpu.memory_space<vmem>>
    %dma_start3A_63 = tpu.memref_squeeze %dma_start3A_62 : memref<1x128xi32, #tpu.memory_space<vmem>> -> memref<128xi32, #tpu.memory_space<vmem>>
    %dma_start3A_64 = arith.constant 0 : i32
    %dma_start3A_65 = arith.constant 0 : i32
    %dma_start3A_66 = tpu.memref_slice %arg4[%dma_start3A_64, %dma_start3A_65] : memref<450000x64xf32, #tpu.memory_space<hbm>> -> memref<450000x64xf32, #tpu.memory_space<hbm>>
    tpu.enqueue_indirect_dma source(%dma_start3A_66 : memref<450000x64xf32, #tpu.memory_space<hbm>>) target(%dma_start3A_60 : memref<128x64xf32, #tpu.memory_space<vmem>>) offsets(%dma_start3A_63 : memref<128xi32, #tpu.memory_space<vmem>>) semaphore(%arg12 : memref<!tpu.dma_semaphore, #tpu.memory_space<semaphore_mem>>)
    %dma_start3A_67 = arith.constant 3 : i32
    %dma_start3A_68 = arith.constant 384 : i32
    %dma_start3A_69 = arith.constant 0 : i32
    %dma_start3A_70 = tpu.memref_slice %arg9[%dma_start3A_68, %dma_start3A_69] : memref<512x64xf32, #tpu.memory_space<vmem>> -> memref<128x64xf32, #tpu.memory_space<vmem>>
    %dma_start3A_71 = arith.constant 0 : i32
    %dma_start3A_72 = tpu.memref_slice %arg7[%dma_start3A_67, %dma_start3A_71] : memref<4x128xi32, #tpu.memory_space<vmem>> -> memref<1x128xi32, #tpu.memory_space<vmem>>
    %dma_start3A_73 = tpu.memref_squeeze %dma_start3A_72 : memref<1x128xi32, #tpu.memory_space<vmem>> -> memref<128xi32, #tpu.memory_space<vmem>>
    %dma_start3A_74 = arith.constant 0 : i32
    %dma_start3A_75 = arith.constant 0 : i32
    %dma_start3A_76 = tpu.memref_slice %arg3[%dma_start3A_74, %dma_start3A_75] : memref<50000x64xf32, #tpu.memory_space<hbm>> -> memref<50000x64xf32, #tpu.memory_space<hbm>>
    tpu.enqueue_indirect_dma source(%dma_start3A_76 : memref<50000x64xf32, #tpu.memory_space<hbm>>) target(%dma_start3A_70 : memref<128x64xf32, #tpu.memory_space<vmem>>) offsets(%dma_start3A_73 : memref<128xi32, #tpu.memory_space<vmem>>) semaphore(%arg11 : memref<!tpu.dma_semaphore, #tpu.memory_space<semaphore_mem>>)
    %dma_start3A_77 = arith.constant 3 : i32
    %dma_start3A_78 = arith.constant 384 : i32
    %dma_start3A_79 = arith.constant 0 : i32
    %dma_start3A_80 = tpu.memref_slice %arg10[%dma_start3A_78, %dma_start3A_79] : memref<512x64xf32, #tpu.memory_space<vmem>> -> memref<128x64xf32, #tpu.memory_space<vmem>>
    %dma_start3A_81 = arith.constant 0 : i32
    %dma_start3A_82 = tpu.memref_slice %arg8[%dma_start3A_77, %dma_start3A_81] : memref<4x128xi32, #tpu.memory_space<vmem>> -> memref<1x128xi32, #tpu.memory_space<vmem>>
    %dma_start3A_83 = tpu.memref_squeeze %dma_start3A_82 : memref<1x128xi32, #tpu.memory_space<vmem>> -> memref<128xi32, #tpu.memory_space<vmem>>
    %dma_start3A_84 = arith.constant 0 : i32
    %dma_start3A_85 = arith.constant 0 : i32
    %dma_start3A_86 = tpu.memref_slice %arg4[%dma_start3A_84, %dma_start3A_85] : memref<450000x64xf32, #tpu.memory_space<hbm>> -> memref<450000x64xf32, #tpu.memory_space<hbm>>
    tpu.enqueue_indirect_dma source(%dma_start3A_86 : memref<450000x64xf32, #tpu.memory_space<hbm>>) target(%dma_start3A_80 : memref<128x64xf32, #tpu.memory_space<vmem>>) offsets(%dma_start3A_83 : memref<128xi32, #tpu.memory_space<vmem>>) semaphore(%arg12 : memref<!tpu.dma_semaphore, #tpu.memory_space<semaphore_mem>>)
    %dma_wait3A = arith.constant 0 : i32
    %dma_wait3A_87 = arith.constant 0 : i32
    %dma_wait3A_88 = tpu.memref_slice %arg3[%dma_wait3A, %dma_wait3A_87] : memref<50000x64xf32, #tpu.memory_space<hbm>> -> memref<512x64xf32, #tpu.memory_space<hbm>>
    %dma_wait3A_89 = arith.constant 0 : i32
    %dma_wait3A_90 = arith.constant 0 : i32
    %dma_wait3A_91 = tpu.memref_slice %arg3[%dma_wait3A_89, %dma_wait3A_90] : memref<50000x64xf32, #tpu.memory_space<hbm>> -> memref<512x64xf32, #tpu.memory_space<hbm>>
    tpu.wait_dma2 semaphore(%arg11 : memref<!tpu.dma_semaphore, #tpu.memory_space<semaphore_mem>>) src(%dma_wait3A_91 : memref<512x64xf32, #tpu.memory_space<hbm>>) dst(%arg9 : memref<512x64xf32, #tpu.memory_space<vmem>>)
    %dma_wait3A_92 = arith.constant 0 : i32
    %dma_wait3A_93 = arith.constant 0 : i32
    %dma_wait3A_94 = tpu.memref_slice %arg4[%dma_wait3A_92, %dma_wait3A_93] : memref<450000x64xf32, #tpu.memory_space<hbm>> -> memref<512x64xf32, #tpu.memory_space<hbm>>
    %dma_wait3A_95 = arith.constant 0 : i32
    %dma_wait3A_96 = arith.constant 0 : i32
    %dma_wait3A_97 = tpu.memref_slice %arg4[%dma_wait3A_95, %dma_wait3A_96] : memref<450000x64xf32, #tpu.memory_space<hbm>> -> memref<512x64xf32, #tpu.memory_space<hbm>>
    tpu.wait_dma2 semaphore(%arg12 : memref<!tpu.dma_semaphore, #tpu.memory_space<semaphore_mem>>) src(%dma_wait3A_97 : memref<512x64xf32, #tpu.memory_space<hbm>>) dst(%arg10 : memref<512x64xf32, #tpu.memory_space<vmem>>)
    %scan3A_98 = arith.constant 0 : i32
    %scan3A_99 = arith.constant 0 : i32
    %scan3A_100 = arith.constant 32 : i32
    %scan3A_101 = arith.addi %scan3A_99, %scan3A_100 : i32
    %scan3A_102 = arith.constant 1 : i32
    scf.for %scan3A_104 = %scan3A_99 to %scan3A_101 step %scan3A_102  : i32 {
      %mul3A_105 = arith.constant 16 : i32
      %mul3A_106 = arith.muli %scan3A_104, %mul3A_105 : i32
      %get3A = arith.index_cast %mul3A_106 : i32 to index
      %get3A_107 = tpu.vector_load %arg6[%get3A] {strides = array<i32>} : memref<512xi32, #tpu.memory_space<vmem>>, vector<16xi32>,
      %get3A_108 = vector.shape_cast %get3A_107 : vector<16xi32> to vector<16xi32>
      %rem3A = arith.constant 10 : i32
      %rem3A_109 = vector.broadcast %rem3A : i32 to vector<16xi32>
      %rem3A_110 = arith.remsi %get3A_108, %rem3A_109 : vector<16xi32>
      %mul3A_111 = arith.constant 16 : i32
      %mul3A_112 = arith.muli %scan3A_104, %mul3A_111 : i32
      %add3A_113 = arith.constant 0 : i32
      %add3A_114 = arith.addi %mul3A_112, %add3A_113 : i32
      %slice3A = vector.extract_strided_slice %rem3A_110 {offsets = [0], sizes = [1], strides = [1]} : vector<16xi32> to vector<1xi32>
      %squeeze3A = vector.extract %slice3A[0] : i32 from vector<1xi32>
      %eq3A = arith.constant 0 : i32
      %eq3A_115 = arith.cmpi eq, %squeeze3A, %eq3A : i32
      %get3A_116 = arith.index_cast %add3A_114 : i32 to index
      %get3A_117 = arith.constant 0 : index
      %get3A_118 = tpu.vector_load %arg9[%get3A_116, %get3A_117] {strides = array<i32>} : memref<512x64xf32, #tpu.memory_space<vmem>>, vector<1x16xf32>,
      %get3A_119 = vector.shape_cast %get3A_118 : vector<1x16xf32> to vector<16xf32>
      %get3A_120 = arith.index_cast %add3A_114 : i32 to index
      %get3A_121 = arith.constant 0 : index
      %get3A_122 = tpu.vector_load %arg10[%get3A_120, %get3A_121] {strides = array<i32>} : memref<512x64xf32, #tpu.memory_space<vmem>>, vector<1x16xf32>,
      %get3A_123 = vector.shape_cast %get3A_122 : vector<1x16xf32> to vector<16xf32>
      %select_n3A = arith.select %eq3A_115, %get3A_119, %get3A_123 : vector<16xf32>
      %swap3A = arith.index_cast %add3A_114 : i32 to index
      %swap3A_124 = arith.constant 0 : index
      %swap3A_125 = tpu.vector_load %arg10[%swap3A, %swap3A_124] {strides = array<i32>} : memref<512x64xf32, #tpu.memory_space<vmem>>, vector<1x16xf32>,
      %swap3A_126 = vector.shape_cast %swap3A_125 : vector<1x16xf32> to vector<16xf32>
      %swap3A_127 = vector.shape_cast %select_n3A : vector<16xf32> to vector<1x16xf32>
      tpu.vector_store %arg10[%swap3A, %swap3A_124], %swap3A_127 {strides = array<i32>} : memref<512x64xf32, #tpu.memory_space<vmem>>, vector<1x16xf32>,
      %get3A_128 = arith.index_cast %add3A_114 : i32 to index
      %get3A_129 = arith.constant 16 : index
      %get3A_130 = tpu.vector_load %arg9[%get3A_128, %get3A_129] {strides = array<i32>} : memref<512x64xf32, #tpu.memory_space<vmem>>, vector<1x16xf32>,
      %get3A_131 = vector.shape_cast %get3A_130 : vector<1x16xf32> to vector<16xf32>
      %get3A_132 = arith.index_cast %add3A_114 : i32 to index
      %get3A_133 = arith.constant 16 : index
      %get3A_134 = tpu.vector_load %arg10[%get3A_132, %get3A_133] {strides = array<i32>} : memref<512x64xf32, #tpu.memory_space<vmem>>, vector<1x16xf32>,
      %get3A_135 = vector.shape_cast %get3A_134 : vector<1x16xf32> to vector<16xf32>
      %select_n3A_136 = arith.select %eq3A_115, %get3A_131, %get3A_135 : vector<16xf32>
      %swap3A_137 = arith.index_cast %add3A_114 : i32 to index
      %swap3A_138 = arith.constant 16 : index
      %swap3A_139 = tpu.vector_load %arg10[%swap3A_137, %swap3A_138] {strides = array<i32>} : memref<512x64xf32, #tpu.memory_space<vmem>>, vector<1x16xf32>,
      %swap3A_140 = vector.shape_cast %swap3A_139 : vector<1x16xf32> to vector<16xf32>
      %swap3A_141 = vector.shape_cast %select_n3A_136 : vector<16xf32> to vector<1x16xf32>
      tpu.vector_store %arg10[%swap3A_137, %swap3A_138], %swap3A_141 {strides = array<i32>} : memref<512x64xf32, #tpu.memory_space<vmem>>, vector<1x16xf32>,
      %get3A_142 = arith.index_cast %add3A_114 : i32 to index
      %get3A_143 = arith.constant 32 : index
      %get3A_144 = tpu.vector_load %arg9[%get3A_142, %get3A_143] {strides = array<i32>} : memref<512x64xf32, #tpu.memory_space<vmem>>, vector<1x16xf32>,
      %get3A_145 = vector.shape_cast %get3A_144 : vector<1x16xf32> to vector<16xf32>
      %get3A_146 = arith.index_cast %add3A_114 : i32 to index
      %get3A_147 = arith.constant 32 : index
      %get3A_148 = tpu.vector_load %arg10[%get3A_146, %get3A_147] {strides = array<i32>} : memref<512x64xf32, #tpu.memory_space<vmem>>, vector<1x16xf32>,
      %get3A_149 = vector.shape_cast %get3A_148 : vector<1x16xf32> to vector<16xf32>
      %select_n3A_150 = arith.select %eq3A_115, %get3A_145, %get3A_149 : vector<16xf32>
      %swap3A_151 = arith.index_cast %add3A_114 : i32 to index
      %swap3A_152 = arith.constant 32 : index
      %swap3A_153 = tpu.vector_load %arg10[%swap3A_151, %swap3A_152] {strides = array<i32>} : memref<512x64xf32, #tpu.memory_space<vmem>>, vector<1x16xf32>,
      %swap3A_154 = vector.shape_cast %swap3A_153 : vector<1x16xf32> to vector<16xf32>
      %swap3A_155 = vector.shape_cast %select_n3A_150 : vector<16xf32> to vector<1x16xf32>
      tpu.vector_store %arg10[%swap3A_151, %swap3A_152], %swap3A_155 {strides = array<i32>} : memref<512x64xf32, #tpu.memory_space<vmem>>, vector<1x16xf32>,
      %get3A_156 = arith.index_cast %add3A_114 : i32 to index
      %get3A_157 = arith.constant 48 : index
      %get3A_158 = tpu.vector_load %arg9[%get3A_156, %get3A_157] {strides = array<i32>} : memref<512x64xf32, #tpu.memory_space<vmem>>, vector<1x16xf32>,
      %get3A_159 = vector.shape_cast %get3A_158 : vector<1x16xf32> to vector<16xf32>
      %get3A_160 = arith.index_cast %add3A_114 : i32 to index
      %get3A_161 = arith.constant 48 : index
      %get3A_162 = tpu.vector_load %arg10[%get3A_160, %get3A_161] {strides = array<i32>} : memref<512x64xf32, #tpu.memory_space<vmem>>, vector<1x16xf32>,
      %get3A_163 = vector.shape_cast %get3A_162 : vector<1x16xf32> to vector<16xf32>
      %select_n3A_164 = arith.select %eq3A_115, %get3A_159, %get3A_163 : vector<16xf32>
      %swap3A_165 = arith.index_cast %add3A_114 : i32 to index
      %swap3A_166 = arith.constant 48 : index
      %swap3A_167 = tpu.vector_load %arg10[%swap3A_165, %swap3A_166] {strides = array<i32>} : memref<512x64xf32, #tpu.memory_space<vmem>>, vector<1x16xf32>,
      %swap3A_168 = vector.shape_cast %swap3A_167 : vector<1x16xf32> to vector<16xf32>
      %swap3A_169 = vector.shape_cast %select_n3A_164 : vector<16xf32> to vector<1x16xf32>
      tpu.vector_store %arg10[%swap3A_165, %swap3A_166], %swap3A_169 {strides = array<i32>} : memref<512x64xf32, #tpu.memory_space<vmem>>, vector<1x16xf32>,
      %mul3A_170 = arith.constant 16 : i32
      %mul3A_171 = arith.muli %scan3A_104, %mul3A_170 : i32
      %add3A_172 = arith.constant 1 : i32
      %add3A_173 = arith.addi %mul3A_171, %add3A_172 : i32
      %slice3A_174 = vector.extract_strided_slice %rem3A_110 {offsets = [1], sizes = [1], strides = [1]} : vector<16xi32> to vector<1xi32>
      %squeeze3A_175 = vector.extract %slice3A_174[0] : i32 from vector<1xi32>
      %eq3A_176 = arith.constant 0 : i32
      %eq3A_177 = arith.cmpi eq, %squeeze3A_175, %eq3A_176 : i32
      %get3A_178 = arith.index_cast %add3A_173 : i32 to index
      %get3A_179 = arith.constant 0 : index
      %get3A_180 = tpu.vector_load %arg9[%get3A_178, %get3A_179] {strides = array<i32>} : memref<512x64xf32, #tpu.memory_space<vmem>>, vector<1x16xf32>,
      %get3A_181 = vector.shape_cast %get3A_180 : vector<1x16xf32> to vector<16xf32>
      %get3A_182 = arith.index_cast %add3A_173 : i32 to index
      %get3A_183 = arith.constant 0 : index
      %get3A_184 = tpu.vector_load %arg10[%get3A_182, %get3A_183] {strides = array<i32>} : memref<512x64xf32, #tpu.memory_space<vmem>>, vector<1x16xf32>,
      %get3A_185 = vector.shape_cast %get3A_184 : vector<1x16xf32> to vector<16xf32>
      %select_n3A_186 = arith.select %eq3A_177, %get3A_181, %get3A_185 : vector<16xf32>
      %swap3A_187 = arith.index_cast %add3A_173 : i32 to index
      %swap3A_188 = arith.constant 0 : index
      %swap3A_189 = tpu.vector_load %arg10[%swap3A_187, %swap3A_188] {strides = array<i32>} : memref<512x64xf32, #tpu.memory_space<vmem>>, vector<1x16xf32>,
      %swap3A_190 = vector.shape_cast %swap3A_189 : vector<1x16xf32> to vector<16xf32>
      %swap3A_191 = vector.shape_cast %select_n3A_186 : vector<16xf32> to vector<1x16xf32>
      tpu.vector_store %arg10[%swap3A_187, %swap3A_188], %swap3A_191 {strides = array<i32>} : memref<512x64xf32, #tpu.memory_space<vmem>>, vector<1x16xf32>,
      %get3A_192 = arith.index_cast %add3A_173 : i32 to index
      %get3A_193 = arith.constant 16 : index
      %get3A_194 = tpu.vector_load %arg9[%get3A_192, %get3A_193] {strides = array<i32>} : memref<512x64xf32, #tpu.memory_space<vmem>>, vector<1x16xf32>,
      %get3A_195 = vector.shape_cast %get3A_194 : vector<1x16xf32> to vector<16xf32>
      %get3A_196 = arith.index_cast %add3A_173 : i32 to index
      %get3A_197 = arith.constant 16 : index
      %get3A_198 = tpu.vector_load %arg10[%get3A_196, %get3A_197] {strides = array<i32>} : memref<512x64xf32, #tpu.memory_space<vmem>>, vector<1x16xf32>,
      %get3A_199 = vector.shape_cast %get3A_198 : vector<1x16xf32> to vector<16xf32>
      %select_n3A_200 = arith.select %eq3A_177, %get3A_195, %get3A_199 : vector<16xf32>
      %swap3A_201 = arith.index_cast %add3A_173 : i32 to index
      %swap3A_202 = arith.constant 16 : index
      %swap3A_203 = tpu.vector_load %arg10[%swap3A_201, %swap3A_202] {strides = array<i32>} : memref<512x64xf32, #tpu.memory_space<vmem>>, vector<1x16xf32>,
      %swap3A_204 = vector.shape_cast %swap3A_203 : vector<1x16xf32> to vector<16xf32>
      %swap3A_205 = vector.shape_cast %select_n3A_200 : vector<16xf32> to vector<1x16xf32>
      tpu.vector_store %arg10[%swap3A_201, %swap3A_202], %swap3A_205 {strides = array<i32>} : memref<512x64xf32, #tpu.memory_space<vmem>>, vector<1x16xf32>,
      %get3A_206 = arith.index_cast %add3A_173 : i32 to index
      %get3A_207 = arith.constant 32 : index
      %get3A_208 = tpu.vector_load %arg9[%get3A_206, %get3A_207] {strides = array<i32>} : memref<512x64xf32, #tpu.memory_space<vmem>>, vector<1x16xf32>,
      %get3A_209 = vector.shape_cast %get3A_208 : vector<1x16xf32> to vector<16xf32>
      %get3A_210 = arith.index_cast %add3A_173 : i32 to index
      %get3A_211 = arith.constant 32 : index
      %get3A_212 = tpu.vector_load %arg10[%get3A_210, %get3A_211] {strides = array<i32>} : memref<512x64xf32, #tpu.memory_space<vmem>>, vector<1x16xf32>,
      %get3A_213 = vector.shape_cast %get3A_212 : vector<1x16xf32> to vector<16xf32>
      %select_n3A_214 = arith.select %eq3A_177, %get3A_209, %get3A_213 : vector<16xf32>
      %swap3A_215 = arith.index_cast %add3A_173 : i32 to index
      %swap3A_216 = arith.constant 32 : index
      %swap3A_217 = tpu.vector_load %arg10[%swap3A_215, %swap3A_216] {strides = array<i32>} : memref<512x64xf32, #tpu.memory_space<vmem>>, vector<1x16xf32>,
      %swap3A_218 = vector.shape_cast %swap3A_217 : vector<1x16xf32> to vector<16xf32>
      %swap3A_219 = vector.shape_cast %select_n3A_214 : vector<16xf32> to vector<1x16xf32>
      tpu.vector_store %arg10[%swap3A_215, %swap3A_216], %swap3A_219 {strides = array<i32>} : memref<512x64xf32, #tpu.memory_space<vmem>>, vector<1x16xf32>,
      %get3A_220 = arith.index_cast %add3A_173 : i32 to index
      %get3A_221 = arith.constant 48 : index
      %get3A_222 = tpu.vector_load %arg9[%get3A_220, %get3A_221] {strides = array<i32>} : memref<512x64xf32, #tpu.memory_space<vmem>>, vector<1x16xf32>,
      %get3A_223 = vector.shape_cast %get3A_222 : vector<1x16xf32> to vector<16xf32>
      %get3A_224 = arith.index_cast %add3A_173 : i32 to index
      %get3A_225 = arith.constant 48 : index
      %get3A_226 = tpu.vector_load %arg10[%get3A_224, %get3A_225] {strides = array<i32>} : memref<512x64xf32, #tpu.memory_space<vmem>>, vector<1x16xf32>,
      %get3A_227 = vector.shape_cast %get3A_226 : vector<1x16xf32> to vector<16xf32>
      %select_n3A_228 = arith.select %eq3A_177, %get3A_223, %get3A_227 : vector<16xf32>
      %swap3A_229 = arith.index_cast %add3A_173 : i32 to index
      %swap3A_230 = arith.constant 48 : index
      %swap3A_231 = tpu.vector_load %arg10[%swap3A_229, %swap3A_230] {strides = array<i32>} : memref<512x64xf32, #tpu.memory_space<vmem>>, vector<1x16xf32>,
      %swap3A_232 = vector.shape_cast %swap3A_231 : vector<1x16xf32> to vector<16xf32>
      %swap3A_233 = vector.shape_cast %select_n3A_228 : vector<16xf32> to vector<1x16xf32>
      tpu.vector_store %arg10[%swap3A_229, %swap3A_230], %swap3A_233 {strides = array<i32>} : memref<512x64xf32, #tpu.memory_space<vmem>>, vector<1x16xf32>,
      %mul3A_234 = arith.constant 16 : i32
      %mul3A_235 = arith.muli %scan3A_104, %mul3A_234 : i32
      %add3A_236 = arith.constant 2 : i32
      %add3A_237 = arith.addi %mul3A_235, %add3A_236 : i32
      %slice3A_238 = vector.extract_strided_slice %rem3A_110 {offsets = [2], sizes = [1], strides = [1]} : vector<16xi32> to vector<1xi32>
      %squeeze3A_239 = vector.extract %slice3A_238[0] : i32 from vector<1xi32>
      %eq3A_240 = arith.constant 0 : i32
      %eq3A_241 = arith.cmpi eq, %squeeze3A_239, %eq3A_240 : i32
      %get3A_242 = arith.index_cast %add3A_237 : i32 to index
      %get3A_243 = arith.constant 0 : index
      %get3A_244 = tpu.vector_load %arg9[%get3A_242, %get3A_243] {strides = array<i32>} : memref<512x64xf32, #tpu.memory_space<vmem>>, vector<1x16xf32>,
      %get3A_245 = vector.shape_cast %get3A_244 : vector<1x16xf32> to vector<16xf32>
      %get3A_246 = arith.index_cast %add3A_237 : i32 to index
      %get3A_247 = arith.constant 0 : index
      %get3A_248 = tpu.vector_load %arg10[%get3A_246, %get3A_247] {strides = array<i32>} : memref<512x64xf32, #tpu.memory_space<vmem>>, vector<1x16xf32>,
      %get3A_249 = vector.shape_cast %get3A_248 : vector<1x16xf32> to vector<16xf32>
      %select_n3A_250 = arith.select %eq3A_241, %get3A_245, %get3A_249 : vector<16xf32>
      %swap3A_251 = arith.index_cast %add3A_237 : i32 to index
      %swap3A_252 = arith.constant 0 : index
      %swap3A_253 = tpu.vector_load %arg10[%swap3A_251, %swap3A_252] {strides = array<i32>} : memref<512x64xf32, #tpu.memory_space<vmem>>, vector<1x16xf32>,
      %swap3A_254 = vector.shape_cast %swap3A_253 : vector<1x16xf32> to vector<16xf32>
      %swap3A_255 = vector.shape_cast %select_n3A_250 : vector<16xf32> to vector<1x16xf32>
      tpu.vector_store %arg10[%swap3A_251, %swap3A_252], %swap3A_255 {strides = array<i32>} : memref<512x64xf32, #tpu.memory_space<vmem>>, vector<1x16xf32>,
      %get3A_256 = arith.index_cast %add3A_237 : i32 to index
      %get3A_257 = arith.constant 16 : index
      %get3A_258 = tpu.vector_load %arg9[%get3A_256, %get3A_257] {strides = array<i32>} : memref<512x64xf32, #tpu.memory_space<vmem>>, vector<1x16xf32>,
      %get3A_259 = vector.shape_cast %get3A_258 : vector<1x16xf32> to vector<16xf32>
      %get3A_260 = arith.index_cast %add3A_237 : i32 to index
      %get3A_261 = arith.constant 16 : index
      %get3A_262 = tpu.vector_load %arg10[%get3A_260, %get3A_261] {strides = array<i32>} : memref<512x64xf32, #tpu.memory_space<vmem>>, vector<1x16xf32>,
      %get3A_263 = vector.shape_cast %get3A_262 : vector<1x16xf32> to vector<16xf32>
      %select_n3A_264 = arith.select %eq3A_241, %get3A_259, %get3A_263 : vector<16xf32>
      %swap3A_265 = arith.index_cast %add3A_237 : i32 to index
      %swap3A_266 = arith.constant 16 : index
      %swap3A_267 = tpu.vector_load %arg10[%swap3A_265, %swap3A_266] {strides = array<i32>} : memref<512x64xf32, #tpu.memory_space<vmem>>, vector<1x16xf32>,
      %swap3A_268 = vector.shape_cast %swap3A_267 : vector<1x16xf32> to vector<16xf32>
      %swap3A_269 = vector.shape_cast %select_n3A_264 : vector<16xf32> to vector<1x16xf32>
      tpu.vector_store %arg10[%swap3A_265, %swap3A_266], %swap3A_269 {strides = array<i32>} : memref<512x64xf32, #tpu.memory_space<vmem>>, vector<1x16xf32>,
      %get3A_270 = arith.index_cast %add3A_237 : i32 to index
      %get3A_271 = arith.constant 32 : index
      %get3A_272 = tpu.vector_load %arg9[%get3A_270, %get3A_271] {strides = array<i32>} : memref<512x64xf32, #tpu.memory_space<vmem>>, vector<1x16xf32>,
      %get3A_273 = vector.shape_cast %get3A_272 : vector<1x16xf32> to vector<16xf32>
      %get3A_274 = arith.index_cast %add3A_237 : i32 to index
      %get3A_275 = arith.constant 32 : index
      %get3A_276 = tpu.vector_load %arg10[%get3A_274, %get3A_275] {strides = array<i32>} : memref<512x64xf32, #tpu.memory_space<vmem>>, vector<1x16xf32>,
      %get3A_277 = vector.shape_cast %get3A_276 : vector<1x16xf32> to vector<16xf32>
      %select_n3A_278 = arith.select %eq3A_241, %get3A_273, %get3A_277 : vector<16xf32>
      %swap3A_279 = arith.index_cast %add3A_237 : i32 to index
      %swap3A_280 = arith.constant 32 : index
      %swap3A_281 = tpu.vector_load %arg10[%swap3A_279, %swap3A_280] {strides = array<i32>} : memref<512x64xf32, #tpu.memory_space<vmem>>, vector<1x16xf32>,
      %swap3A_282 = vector.shape_cast %swap3A_281 : vector<1x16xf32> to vector<16xf32>
      %swap3A_283 = vector.shape_cast %select_n3A_278 : vector<16xf32> to vector<1x16xf32>
      tpu.vector_store %arg10[%swap3A_279, %swap3A_280], %swap3A_283 {strides = array<i32>} : memref<512x64xf32, #tpu.memory_space<vmem>>, vector<1x16xf32>,
      %get3A_284 = arith.index_cast %add3A_237 : i32 to index
      %get3A_285 = arith.constant 48 : index
      %get3A_286 = tpu.vector_load %arg9[%get3A_284, %get3A_285] {strides = array<i32>} : memref<512x64xf32, #tpu.memory_space<vmem>>, vector<1x16xf32>,
      %get3A_287 = vector.shape_cast %get3A_286 : vector<1x16xf32> to vector<16xf32>
      %get3A_288 = arith.index_cast %add3A_237 : i32 to index
      %get3A_289 = arith.constant 48 : index
      %get3A_290 = tpu.vector_load %arg10[%get3A_288, %get3A_289] {strides = array<i32>} : memref<512x64xf32, #tpu.memory_space<vmem>>, vector<1x16xf32>,
      %get3A_291 = vector.shape_cast %get3A_290 : vector<1x16xf32> to vector<16xf32>
      %select_n3A_292 = arith.select %eq3A_241, %get3A_287, %get3A_291 : vector<16xf32>
      %swap3A_293 = arith.index_cast %add3A_237 : i32 to index
      %swap3A_294 = arith.constant 48 : index
      %swap3A_295 = tpu.vector_load %arg10[%swap3A_293, %swap3A_294] {strides = array<i32>} : memref<512x64xf32, #tpu.memory_space<vmem>>, vector<1x16xf32>,
      %swap3A_296 = vector.shape_cast %swap3A_295 : vector<1x16xf32> to vector<16xf32>
      %swap3A_297 = vector.shape_cast %select_n3A_292 : vector<16xf32> to vector<1x16xf32>
      tpu.vector_store %arg10[%swap3A_293, %swap3A_294], %swap3A_297 {strides = array<i32>} : memref<512x64xf32, #tpu.memory_space<vmem>>, vector<1x16xf32>,
      %mul3A_298 = arith.constant 16 : i32
      %mul3A_299 = arith.muli %scan3A_104, %mul3A_298 : i32
      %add3A_300 = arith.constant 3 : i32
      %add3A_301 = arith.addi %mul3A_299, %add3A_300 : i32
      %slice3A_302 = vector.extract_strided_slice %rem3A_110 {offsets = [3], sizes = [1], strides = [1]} : vector<16xi32> to vector<1xi32>
      %squeeze3A_303 = vector.extract %slice3A_302[0] : i32 from vector<1xi32>
      %eq3A_304 = arith.constant 0 : i32
      %eq3A_305 = arith.cmpi eq, %squeeze3A_303, %eq3A_304 : i32
      %get3A_306 = arith.index_cast %add3A_301 : i32 to index
      %get3A_307 = arith.constant 0 : index
      %get3A_308 = tpu.vector_load %arg9[%get3A_306, %get3A_307] {strides = array<i32>} : memref<512x64xf32, #tpu.memory_space<vmem>>, vector<1x16xf32>,
      %get3A_309 = vector.shape_cast %get3A_308 : vector<1x16xf32> to vector<16xf32>
      %get3A_310 = arith.index_cast %add3A_301 : i32 to index
      %get3A_311 = arith.constant 0 : index
      %get3A_312 = tpu.vector_load %arg10[%get3A_310, %get3A_311] {strides = array<i32>} : memref<512x64xf32, #tpu.memory_space<vmem>>, vector<1x16xf32>,
      %get3A_313 = vector.shape_cast %get3A_312 : vector<1x16xf32> to vector<16xf32>
      %select_n3A_314 = arith.select %eq3A_305, %get3A_309, %get3A_313 : vector<16xf32>
      %swap3A_315 = arith.index_cast %add3A_301 : i32 to index
      %swap3A_316 = arith.constant 0 : index
      %swap3A_317 = tpu.vector_load %arg10[%swap3A_315, %swap3A_316] {strides = array<i32>} : memref<512x64xf32, #tpu.memory_space<vmem>>, vector<1x16xf32>,
      %swap3A_318 = vector.shape_cast %swap3A_317 : vector<1x16xf32> to vector<16xf32>
      %swap3A_319 = vector.shape_cast %select_n3A_314 : vector<16xf32> to vector<1x16xf32>
      tpu.vector_store %arg10[%swap3A_315, %swap3A_316], %swap3A_319 {strides = array<i32>} : memref<512x64xf32, #tpu.memory_space<vmem>>, vector<1x16xf32>,
      %get3A_320 = arith.index_cast %add3A_301 : i32 to index
      %get3A_321 = arith.constant 16 : index
      %get3A_322 = tpu.vector_load %arg9[%get3A_320, %get3A_321] {strides = array<i32>} : memref<512x64xf32, #tpu.memory_space<vmem>>, vector<1x16xf32>,
      %get3A_323 = vector.shape_cast %get3A_322 : vector<1x16xf32> to vector<16xf32>
      %get3A_324 = arith.index_cast %add3A_301 : i32 to index
      %get3A_325 = arith.constant 16 : index
      %get3A_326 = tpu.vector_load %arg10[%get3A_324, %get3A_325] {strides = array<i32>} : memref<512x64xf32, #tpu.memory_space<vmem>>, vector<1x16xf32>,
      %get3A_327 = vector.shape_cast %get3A_326 : vector<1x16xf32> to vector<16xf32>
      %select_n3A_328 = arith.select %eq3A_305, %get3A_323, %get3A_327 : vector<16xf32>
      %swap3A_329 = arith.index_cast %add3A_301 : i32 to index
      %swap3A_330 = arith.constant 16 : index
      %swap3A_331 = tpu.vector_load %arg10[%swap3A_329, %swap3A_330] {strides = array<i32>} : memref<512x64xf32, #tpu.memory_space<vmem>>, vector<1x16xf32>,
      %swap3A_332 = vector.shape_cast %swap3A_331 : vector<1x16xf32> to vector<16xf32>
      %swap3A_333 = vector.shape_cast %select_n3A_328 : vector<16xf32> to vector<1x16xf32>
      tpu.vector_store %arg10[%swap3A_329, %swap3A_330], %swap3A_333 {strides = array<i32>} : memref<512x64xf32, #tpu.memory_space<vmem>>, vector<1x16xf32>,
      %get3A_334 = arith.index_cast %add3A_301 : i32 to index
      %get3A_335 = arith.constant 32 : index
      %get3A_336 = tpu.vector_load %arg9[%get3A_334, %get3A_335] {strides = array<i32>} : memref<512x64xf32, #tpu.memory_space<vmem>>, vector<1x16xf32>,
      %get3A_337 = vector.shape_cast %get3A_336 : vector<1x16xf32> to vector<16xf32>
      %get3A_338 = arith.index_cast %add3A_301 : i32 to index
      %get3A_339 = arith.constant 32 : index
      %get3A_340 = tpu.vector_load %arg10[%get3A_338, %get3A_339] {strides = array<i32>} : memref<512x64xf32, #tpu.memory_space<vmem>>, vector<1x16xf32>,
      %get3A_341 = vector.shape_cast %get3A_340 : vector<1x16xf32> to vector<16xf32>
      %select_n3A_342 = arith.select %eq3A_305, %get3A_337, %get3A_341 : vector<16xf32>
      %swap3A_343 = arith.index_cast %add3A_301 : i32 to index
      %swap3A_344 = arith.constant 32 : index
      %swap3A_345 = tpu.vector_load %arg10[%swap3A_343, %swap3A_344] {strides = array<i32>} : memref<512x64xf32, #tpu.memory_space<vmem>>, vector<1x16xf32>,
      %swap3A_346 = vector.shape_cast %swap3A_345 : vector<1x16xf32> to vector<16xf32>
      %swap3A_347 = vector.shape_cast %select_n3A_342 : vector<16xf32> to vector<1x16xf32>
      tpu.vector_store %arg10[%swap3A_343, %swap3A_344], %swap3A_347 {strides = array<i32>} : memref<512x64xf32, #tpu.memory_space<vmem>>, vector<1x16xf32>,
      %get3A_348 = arith.index_cast %add3A_301 : i32 to index
      %get3A_349 = arith.constant 48 : index
      %get3A_350 = tpu.vector_load %arg9[%get3A_348, %get3A_349] {strides = array<i32>} : memref<512x64xf32, #tpu.memory_space<vmem>>, vector<1x16xf32>,
      %get3A_351 = vector.shape_cast %get3A_350 : vector<1x16xf32> to vector<16xf32>
      %get3A_352 = arith.index_cast %add3A_301 : i32 to index
      %get3A_353 = arith.constant 48 : index
      %get3A_354 = tpu.vector_load %arg10[%get3A_352, %get3A_353] {strides = array<i32>} : memref<512x64xf32, #tpu.memory_space<vmem>>, vector<1x16xf32>,
      %get3A_355 = vector.shape_cast %get3A_354 : vector<1x16xf32> to vector<16xf32>
      %select_n3A_356 = arith.select %eq3A_305, %get3A_351, %get3A_355 : vector<16xf32>
      %swap3A_357 = arith.index_cast %add3A_301 : i32 to index
      %swap3A_358 = arith.constant 48 : index
      %swap3A_359 = tpu.vector_load %arg10[%swap3A_357, %swap3A_358] {strides = array<i32>} : memref<512x64xf32, #tpu.memory_space<vmem>>, vector<1x16xf32>,
      %swap3A_360 = vector.shape_cast %swap3A_359 : vector<1x16xf32> to vector<16xf32>
      %swap3A_361 = vector.shape_cast %select_n3A_356 : vector<16xf32> to vector<1x16xf32>
      tpu.vector_store %arg10[%swap3A_357, %swap3A_358], %swap3A_361 {strides = array<i32>} : memref<512x64xf32, #tpu.memory_space<vmem>>, vector<1x16xf32>,
      %mul3A_362 = arith.constant 16 : i32
      %mul3A_363 = arith.muli %scan3A_104, %mul3A_362 : i32
      %add3A_364 = arith.constant 4 : i32
      %add3A_365 = arith.addi %mul3A_363, %add3A_364 : i32
      %slice3A_366 = vector.extract_strided_slice %rem3A_110 {offsets = [4], sizes = [1], strides = [1]} : vector<16xi32> to vector<1xi32>
      %squeeze3A_367 = vector.extract %slice3A_366[0] : i32 from vector<1xi32>
      %eq3A_368 = arith.constant 0 : i32
      %eq3A_369 = arith.cmpi eq, %squeeze3A_367, %eq3A_368 : i32
      %get3A_370 = arith.index_cast %add3A_365 : i32 to index
      %get3A_371 = arith.constant 0 : index
      %get3A_372 = tpu.vector_load %arg9[%get3A_370, %get3A_371] {strides = array<i32>} : memref<512x64xf32, #tpu.memory_space<vmem>>, vector<1x16xf32>,
      %get3A_373 = vector.shape_cast %get3A_372 : vector<1x16xf32> to vector<16xf32>
      %get3A_374 = arith.index_cast %add3A_365 : i32 to index
      %get3A_375 = arith.constant 0 : index
      %get3A_376 = tpu.vector_load %arg10[%get3A_374, %get3A_375] {strides = array<i32>} : memref<512x64xf32, #tpu.memory_space<vmem>>, vector<1x16xf32>,
      %get3A_377 = vector.shape_cast %get3A_376 : vector<1x16xf32> to vector<16xf32>
      %select_n3A_378 = arith.select %eq3A_369, %get3A_373, %get3A_377 : vector<16xf32>
      %swap3A_379 = arith.index_cast %add3A_365 : i32 to index
      %swap3A_380 = arith.constant 0 : index
      %swap3A_381 = tpu.vector_load %arg10[%swap3A_379, %swap3A_380] {strides = array<i32>} : memref<512x64xf32, #tpu.memory_space<vmem>>, vector<1x16xf32>,
      %swap3A_382 = vector.shape_cast %swap3A_381 : vector<1x16xf32> to vector<16xf32>
      %swap3A_383 = vector.shape_cast %select_n3A_378 : vector<16xf32> to vector<1x16xf32>
      tpu.vector_store %arg10[%swap3A_379, %swap3A_380], %swap3A_383 {strides = array<i32>} : memref<512x64xf32, #tpu.memory_space<vmem>>, vector<1x16xf32>,
      %get3A_384 = arith.index_cast %add3A_365 : i32 to index
      %get3A_385 = arith.constant 16 : index
      %get3A_386 = tpu.vector_load %arg9[%get3A_384, %get3A_385] {strides = array<i32>} : memref<512x64xf32, #tpu.memory_space<vmem>>, vector<1x16xf32>,
      %get3A_387 = vector.shape_cast %get3A_386 : vector<1x16xf32> to vector<16xf32>
      %get3A_388 = arith.index_cast %add3A_365 : i32 to index
      %get3A_389 = arith.constant 16 : index
      %get3A_390 = tpu.vector_load %arg10[%get3A_388, %get3A_389] {strides = array<i32>} : memref<512x64xf32, #tpu.memory_space<vmem>>, vector<1x16xf32>,
      %get3A_391 = vector.shape_cast %get3A_390 : vector<1x16xf32> to vector<16xf32>
      %select_n3A_392 = arith.select %eq3A_369, %get3A_387, %get3A_391 : vector<16xf32>
      %swap3A_393 = arith.index_cast %add3A_365 : i32 to index
      %swap3A_394 = arith.constant 16 : index
      %swap3A_395 = tpu.vector_load %arg10[%swap3A_393, %swap3A_394] {strides = array<i32>} : memref<512x64xf32, #tpu.memory_space<vmem>>, vector<1x16xf32>,
      %swap3A_396 = vector.shape_cast %swap3A_395 : vector<1x16xf32> to vector<16xf32>
      %swap3A_397 = vector.shape_cast %select_n3A_392 : vector<16xf32> to vector<1x16xf32>
      tpu.vector_store %arg10[%swap3A_393, %swap3A_394], %swap3A_397 {strides = array<i32>} : memref<512x64xf32, #tpu.memory_space<vmem>>, vector<1x16xf32>,
      %get3A_398 = arith.index_cast %add3A_365 : i32 to index
      %get3A_399 = arith.constant 32 : index
      %get3A_400 = tpu.vector_load %arg9[%get3A_398, %get3A_399] {strides = array<i32>} : memref<512x64xf32, #tpu.memory_space<vmem>>, vector<1x16xf32>,
      %get3A_401 = vector.shape_cast %get3A_400 : vector<1x16xf32> to vector<16xf32>
      %get3A_402 = arith.index_cast %add3A_365 : i32 to index
      %get3A_403 = arith.constant 32 : index
      %get3A_404 = tpu.vector_load %arg10[%get3A_402, %get3A_403] {strides = array<i32>} : memref<512x64xf32, #tpu.memory_space<vmem>>, vector<1x16xf32>,
      %get3A_405 = vector.shape_cast %get3A_404 : vector<1x16xf32> to vector<16xf32>
      %select_n3A_406 = arith.select %eq3A_369, %get3A_401, %get3A_405 : vector<16xf32>
      %swap3A_407 = arith.index_cast %add3A_365 : i32 to index
      %swap3A_408 = arith.constant 32 : index
      %swap3A_409 = tpu.vector_load %arg10[%swap3A_407, %swap3A_408] {strides = array<i32>} : memref<512x64xf32, #tpu.memory_space<vmem>>, vector<1x16xf32>,
      %swap3A_410 = vector.shape_cast %swap3A_409 : vector<1x16xf32> to vector<16xf32>
      %swap3A_411 = vector.shape_cast %select_n3A_406 : vector<16xf32> to vector<1x16xf32>
      tpu.vector_store %arg10[%swap3A_407, %swap3A_408], %swap3A_411 {strides = array<i32>} : memref<512x64xf32, #tpu.memory_space<vmem>>, vector<1x16xf32>,
      %get3A_412 = arith.index_cast %add3A_365 : i32 to index
      %get3A_413 = arith.constant 48 : index
      %get3A_414 = tpu.vector_load %arg9[%get3A_412, %get3A_413] {strides = array<i32>} : memref<512x64xf32, #tpu.memory_space<vmem>>, vector<1x16xf32>,
      %get3A_415 = vector.shape_cast %get3A_414 : vector<1x16xf32> to vector<16xf32>
      %get3A_416 = arith.index_cast %add3A_365 : i32 to index
      %get3A_417 = arith.constant 48 : index
      %get3A_418 = tpu.vector_load %arg10[%get3A_416, %get3A_417] {strides = array<i32>} : memref<512x64xf32, #tpu.memory_space<vmem>>, vector<1x16xf32>,
      %get3A_419 = vector.shape_cast %get3A_418 : vector<1x16xf32> to vector<16xf32>
      %select_n3A_420 = arith.select %eq3A_369, %get3A_415, %get3A_419 : vector<16xf32>
      %swap3A_421 = arith.index_cast %add3A_365 : i32 to index
      %swap3A_422 = arith.constant 48 : index
      %swap3A_423 = tpu.vector_load %arg10[%swap3A_421, %swap3A_422] {strides = array<i32>} : memref<512x64xf32, #tpu.memory_space<vmem>>, vector<1x16xf32>,
      %swap3A_424 = vector.shape_cast %swap3A_423 : vector<1x16xf32> to vector<16xf32>
      %swap3A_425 = vector.shape_cast %select_n3A_420 : vector<16xf32> to vector<1x16xf32>
      tpu.vector_store %arg10[%swap3A_421, %swap3A_422], %swap3A_425 {strides = array<i32>} : memref<512x64xf32, #tpu.memory_space<vmem>>, vector<1x16xf32>,
      %mul3A_426 = arith.constant 16 : i32
      %mul3A_427 = arith.muli %scan3A_104, %mul3A_426 : i32
      %add3A_428 = arith.constant 5 : i32
      %add3A_429 = arith.addi %mul3A_427, %add3A_428 : i32
      %slice3A_430 = vector.extract_strided_slice %rem3A_110 {offsets = [5], sizes = [1], strides = [1]} : vector<16xi32> to vector<1xi32>
      %squeeze3A_431 = vector.extract %slice3A_430[0] : i32 from vector<1xi32>
      %eq3A_432 = arith.constant 0 : i32
      %eq3A_433 = arith.cmpi eq, %squeeze3A_431, %eq3A_432 : i32
      %get3A_434 = arith.index_cast %add3A_429 : i32 to index
      %get3A_435 = arith.constant 0 : index
      %get3A_436 = tpu.vector_load %arg9[%get3A_434, %get3A_435] {strides = array<i32>} : memref<512x64xf32, #tpu.memory_space<vmem>>, vector<1x16xf32>,
      %get3A_437 = vector.shape_cast %get3A_436 : vector<1x16xf32> to vector<16xf32>
      %get3A_438 = arith.index_cast %add3A_429 : i32 to index
      %get3A_439 = arith.constant 0 : index
      %get3A_440 = tpu.vector_load %arg10[%get3A_438, %get3A_439] {strides = array<i32>} : memref<512x64xf32, #tpu.memory_space<vmem>>, vector<1x16xf32>,
      %get3A_441 = vector.shape_cast %get3A_440 : vector<1x16xf32> to vector<16xf32>
      %select_n3A_442 = arith.select %eq3A_433, %get3A_437, %get3A_441 : vector<16xf32>
      %swap3A_443 = arith.index_cast %add3A_429 : i32 to index
      %swap3A_444 = arith.constant 0 : index
      %swap3A_445 = tpu.vector_load %arg10[%swap3A_443, %swap3A_444] {strides = array<i32>} : memref<512x64xf32, #tpu.memory_space<vmem>>, vector<1x16xf32>,
      %swap3A_446 = vector.shape_cast %swap3A_445 : vector<1x16xf32> to vector<16xf32>
      %swap3A_447 = vector.shape_cast %select_n3A_442 : vector<16xf32> to vector<1x16xf32>
      tpu.vector_store %arg10[%swap3A_443, %swap3A_444], %swap3A_447 {strides = array<i32>} : memref<512x64xf32, #tpu.memory_space<vmem>>, vector<1x16xf32>,
      %get3A_448 = arith.index_cast %add3A_429 : i32 to index
      %get3A_449 = arith.constant 16 : index
      %get3A_450 = tpu.vector_load %arg9[%get3A_448, %get3A_449] {strides = array<i32>} : memref<512x64xf32, #tpu.memory_space<vmem>>, vector<1x16xf32>,
      %get3A_451 = vector.shape_cast %get3A_450 : vector<1x16xf32> to vector<16xf32>
      %get3A_452 = arith.index_cast %add3A_429 : i32 to index
      %get3A_453 = arith.constant 16 : index
      %get3A_454 = tpu.vector_load %arg10[%get3A_452, %get3A_453] {strides = array<i32>} : memref<512x64xf32, #tpu.memory_space<vmem>>, vector<1x16xf32>,
      %get3A_455 = vector.shape_cast %get3A_454 : vector<1x16xf32> to vector<16xf32>
      %select_n3A_456 = arith.select %eq3A_433, %get3A_451, %get3A_455 : vector<16xf32>
      %swap3A_457 = arith.index_cast %add3A_429 : i32 to index
      %swap3A_458 = arith.constant 16 : index
      %swap3A_459 = tpu.vector_load %arg10[%swap3A_457, %swap3A_458] {strides = array<i32>} : memref<512x64xf32, #tpu.memory_space<vmem>>, vector<1x16xf32>,
      %swap3A_460 = vector.shape_cast %swap3A_459 : vector<1x16xf32> to vector<16xf32>
      %swap3A_461 = vector.shape_cast %select_n3A_456 : vector<16xf32> to vector<1x16xf32>
      tpu.vector_store %arg10[%swap3A_457, %swap3A_458], %swap3A_461 {strides = array<i32>} : memref<512x64xf32, #tpu.memory_space<vmem>>, vector<1x16xf32>,
      %get3A_462 = arith.index_cast %add3A_429 : i32 to index
      %get3A_463 = arith.constant 32 : index
      %get3A_464 = tpu.vector_load %arg9[%get3A_462, %get3A_463] {strides = array<i32>} : memref<512x64xf32, #tpu.memory_space<vmem>>, vector<1x16xf32>,
      %get3A_465 = vector.shape_cast %get3A_464 : vector<1x16xf32> to vector<16xf32>
      %get3A_466 = arith.index_cast %add3A_429 : i32 to index
      %get3A_467 = arith.constant 32 : index
      %get3A_468 = tpu.vector_load %arg10[%get3A_466, %get3A_467] {strides = array<i32>} : memref<512x64xf32, #tpu.memory_space<vmem>>, vector<1x16xf32>,
      %get3A_469 = vector.shape_cast %get3A_468 : vector<1x16xf32> to vector<16xf32>
      %select_n3A_470 = arith.select %eq3A_433, %get3A_465, %get3A_469 : vector<16xf32>
      %swap3A_471 = arith.index_cast %add3A_429 : i32 to index
      %swap3A_472 = arith.constant 32 : index
      %swap3A_473 = tpu.vector_load %arg10[%swap3A_471, %swap3A_472] {strides = array<i32>} : memref<512x64xf32, #tpu.memory_space<vmem>>, vector<1x16xf32>,
      %swap3A_474 = vector.shape_cast %swap3A_473 : vector<1x16xf32> to vector<16xf32>
      %swap3A_475 = vector.shape_cast %select_n3A_470 : vector<16xf32> to vector<1x16xf32>
      tpu.vector_store %arg10[%swap3A_471, %swap3A_472], %swap3A_475 {strides = array<i32>} : memref<512x64xf32, #tpu.memory_space<vmem>>, vector<1x16xf32>,
      %get3A_476 = arith.index_cast %add3A_429 : i32 to index
      %get3A_477 = arith.constant 48 : index
      %get3A_478 = tpu.vector_load %arg9[%get3A_476, %get3A_477] {strides = array<i32>} : memref<512x64xf32, #tpu.memory_space<vmem>>, vector<1x16xf32>,
      %get3A_479 = vector.shape_cast %get3A_478 : vector<1x16xf32> to vector<16xf32>
      %get3A_480 = arith.index_cast %add3A_429 : i32 to index
      %get3A_481 = arith.constant 48 : index
      %get3A_482 = tpu.vector_load %arg10[%get3A_480, %get3A_481] {strides = array<i32>} : memref<512x64xf32, #tpu.memory_space<vmem>>, vector<1x16xf32>,
      %get3A_483 = vector.shape_cast %get3A_482 : vector<1x16xf32> to vector<16xf32>
      %select_n3A_484 = arith.select %eq3A_433, %get3A_479, %get3A_483 : vector<16xf32>
      %swap3A_485 = arith.index_cast %add3A_429 : i32 to index
      %swap3A_486 = arith.constant 48 : index
      %swap3A_487 = tpu.vector_load %arg10[%swap3A_485, %swap3A_486] {strides = array<i32>} : memref<512x64xf32, #tpu.memory_space<vmem>>, vector<1x16xf32>,
      %swap3A_488 = vector.shape_cast %swap3A_487 : vector<1x16xf32> to vector<16xf32>
      %swap3A_489 = vector.shape_cast %select_n3A_484 : vector<16xf32> to vector<1x16xf32>
      tpu.vector_store %arg10[%swap3A_485, %swap3A_486], %swap3A_489 {strides = array<i32>} : memref<512x64xf32, #tpu.memory_space<vmem>>, vector<1x16xf32>,
      %mul3A_490 = arith.constant 16 : i32
      %mul3A_491 = arith.muli %scan3A_104, %mul3A_490 : i32
      %add3A_492 = arith.constant 6 : i32
      %add3A_493 = arith.addi %mul3A_491, %add3A_492 : i32
      %slice3A_494 = vector.extract_strided_slice %rem3A_110 {offsets = [6], sizes = [1], strides = [1]} : vector<16xi32> to vector<1xi32>
      %squeeze3A_495 = vector.extract %slice3A_494[0] : i32 from vector<1xi32>
      %eq3A_496 = arith.constant 0 : i32
      %eq3A_497 = arith.cmpi eq, %squeeze3A_495, %eq3A_496 : i32
      %get3A_498 = arith.index_cast %add3A_493 : i32 to index
      %get3A_499 = arith.constant 0 : index
      %get3A_500 = tpu.vector_load %arg9[%get3A_498, %get3A_499] {strides = array<i32>} : memref<512x64xf32, #tpu.memory_space<vmem>>, vector<1x16xf32>,
      %get3A_501 = vector.shape_cast %get3A_500 : vector<1x16xf32> to vector<16xf32>
      %get3A_502 = arith.index_cast %add3A_493 : i32 to index
      %get3A_503 = arith.constant 0 : index
      %get3A_504 = tpu.vector_load %arg10[%get3A_502, %get3A_503] {strides = array<i32>} : memref<512x64xf32, #tpu.memory_space<vmem>>, vector<1x16xf32>,
      %get3A_505 = vector.shape_cast %get3A_504 : vector<1x16xf32> to vector<16xf32>
      %select_n3A_506 = arith.select %eq3A_497, %get3A_501, %get3A_505 : vector<16xf32>
      %swap3A_507 = arith.index_cast %add3A_493 : i32 to index
      %swap3A_508 = arith.constant 0 : index
      %swap3A_509 = tpu.vector_load %arg10[%swap3A_507, %swap3A_508] {strides = array<i32>} : memref<512x64xf32, #tpu.memory_space<vmem>>, vector<1x16xf32>,
      %swap3A_510 = vector.shape_cast %swap3A_509 : vector<1x16xf32> to vector<16xf32>
      %swap3A_511 = vector.shape_cast %select_n3A_506 : vector<16xf32> to vector<1x16xf32>
      tpu.vector_store %arg10[%swap3A_507, %swap3A_508], %swap3A_511 {strides = array<i32>} : memref<512x64xf32, #tpu.memory_space<vmem>>, vector<1x16xf32>,
      %get3A_512 = arith.index_cast %add3A_493 : i32 to index
      %get3A_513 = arith.constant 16 : index
      %get3A_514 = tpu.vector_load %arg9[%get3A_512, %get3A_513] {strides = array<i32>} : memref<512x64xf32, #tpu.memory_space<vmem>>, vector<1x16xf32>,
      %get3A_515 = vector.shape_cast %get3A_514 : vector<1x16xf32> to vector<16xf32>
      %get3A_516 = arith.index_cast %add3A_493 : i32 to index
      %get3A_517 = arith.constant 16 : index
      %get3A_518 = tpu.vector_load %arg10[%get3A_516, %get3A_517] {strides = array<i32>} : memref<512x64xf32, #tpu.memory_space<vmem>>, vector<1x16xf32>,
      %get3A_519 = vector.shape_cast %get3A_518 : vector<1x16xf32> to vector<16xf32>
      %select_n3A_520 = arith.select %eq3A_497, %get3A_515, %get3A_519 : vector<16xf32>
      %swap3A_521 = arith.index_cast %add3A_493 : i32 to index
      %swap3A_522 = arith.constant 16 : index
      %swap3A_523 = tpu.vector_load %arg10[%swap3A_521, %swap3A_522] {strides = array<i32>} : memref<512x64xf32, #tpu.memory_space<vmem>>, vector<1x16xf32>,
      %swap3A_524 = vector.shape_cast %swap3A_523 : vector<1x16xf32> to vector<16xf32>
      %swap3A_525 = vector.shape_cast %select_n3A_520 : vector<16xf32> to vector<1x16xf32>
      tpu.vector_store %arg10[%swap3A_521, %swap3A_522], %swap3A_525 {strides = array<i32>} : memref<512x64xf32, #tpu.memory_space<vmem>>, vector<1x16xf32>,
      %get3A_526 = arith.index_cast %add3A_493 : i32 to index
      %get3A_527 = arith.constant 32 : index
      %get3A_528 = tpu.vector_load %arg9[%get3A_526, %get3A_527] {strides = array<i32>} : memref<512x64xf32, #tpu.memory_space<vmem>>, vector<1x16xf32>,
      %get3A_529 = vector.shape_cast %get3A_528 : vector<1x16xf32> to vector<16xf32>
      %get3A_530 = arith.index_cast %add3A_493 : i32 to index
      %get3A_531 = arith.constant 32 : index
      %get3A_532 = tpu.vector_load %arg10[%get3A_530, %get3A_531] {strides = array<i32>} : memref<512x64xf32, #tpu.memory_space<vmem>>, vector<1x16xf32>,
      %get3A_533 = vector.shape_cast %get3A_532 : vector<1x16xf32> to vector<16xf32>
      %select_n3A_534 = arith.select %eq3A_497, %get3A_529, %get3A_533 : vector<16xf32>
      %swap3A_535 = arith.index_cast %add3A_493 : i32 to index
      %swap3A_536 = arith.constant 32 : index
      %swap3A_537 = tpu.vector_load %arg10[%swap3A_535, %swap3A_536] {strides = array<i32>} : memref<512x64xf32, #tpu.memory_space<vmem>>, vector<1x16xf32>,
      %swap3A_538 = vector.shape_cast %swap3A_537 : vector<1x16xf32> to vector<16xf32>
      %swap3A_539 = vector.shape_cast %select_n3A_534 : vector<16xf32> to vector<1x16xf32>
      tpu.vector_store %arg10[%swap3A_535, %swap3A_536], %swap3A_539 {strides = array<i32>} : memref<512x64xf32, #tpu.memory_space<vmem>>, vector<1x16xf32>,
      %get3A_540 = arith.index_cast %add3A_493 : i32 to index
      %get3A_541 = arith.constant 48 : index
      %get3A_542 = tpu.vector_load %arg9[%get3A_540, %get3A_541] {strides = array<i32>} : memref<512x64xf32, #tpu.memory_space<vmem>>, vector<1x16xf32>,
      %get3A_543 = vector.shape_cast %get3A_542 : vector<1x16xf32> to vector<16xf32>
      %get3A_544 = arith.index_cast %add3A_493 : i32 to index
      %get3A_545 = arith.constant 48 : index
      %get3A_546 = tpu.vector_load %arg10[%get3A_544, %get3A_545] {strides = array<i32>} : memref<512x64xf32, #tpu.memory_space<vmem>>, vector<1x16xf32>,
      %get3A_547 = vector.shape_cast %get3A_546 : vector<1x16xf32> to vector<16xf32>
      %select_n3A_548 = arith.select %eq3A_497, %get3A_543, %get3A_547 : vector<16xf32>
      %swap3A_549 = arith.index_cast %add3A_493 : i32 to index
      %swap3A_550 = arith.constant 48 : index
      %swap3A_551 = tpu.vector_load %arg10[%swap3A_549, %swap3A_550] {strides = array<i32>} : memref<512x64xf32, #tpu.memory_space<vmem>>, vector<1x16xf32>,
      %swap3A_552 = vector.shape_cast %swap3A_551 : vector<1x16xf32> to vector<16xf32>
      %swap3A_553 = vector.shape_cast %select_n3A_548 : vector<16xf32> to vector<1x16xf32>
      tpu.vector_store %arg10[%swap3A_549, %swap3A_550], %swap3A_553 {strides = array<i32>} : memref<512x64xf32, #tpu.memory_space<vmem>>, vector<1x16xf32>,
      %mul3A_554 = arith.constant 16 : i32
      %mul3A_555 = arith.muli %scan3A_104, %mul3A_554 : i32
      %add3A_556 = arith.constant 7 : i32
      %add3A_557 = arith.addi %mul3A_555, %add3A_556 : i32
      %slice3A_558 = vector.extract_strided_slice %rem3A_110 {offsets = [7], sizes = [1], strides = [1]} : vector<16xi32> to vector<1xi32>
      %squeeze3A_559 = vector.extract %slice3A_558[0] : i32 from vector<1xi32>
      %eq3A_560 = arith.constant 0 : i32
      %eq3A_561 = arith.cmpi eq, %squeeze3A_559, %eq3A_560 : i32
      %get3A_562 = arith.index_cast %add3A_557 : i32 to index
      %get3A_563 = arith.constant 0 : index
      %get3A_564 = tpu.vector_load %arg9[%get3A_562, %get3A_563] {strides = array<i32>} : memref<512x64xf32, #tpu.memory_space<vmem>>, vector<1x16xf32>,
      %get3A_565 = vector.shape_cast %get3A_564 : vector<1x16xf32> to vector<16xf32>
      %get3A_566 = arith.index_cast %add3A_557 : i32 to index
      %get3A_567 = arith.constant 0 : index
      %get3A_568 = tpu.vector_load %arg10[%get3A_566, %get3A_567] {strides = array<i32>} : memref<512x64xf32, #tpu.memory_space<vmem>>, vector<1x16xf32>,
      %get3A_569 = vector.shape_cast %get3A_568 : vector<1x16xf32> to vector<16xf32>
      %select_n3A_570 = arith.select %eq3A_561, %get3A_565, %get3A_569 : vector<16xf32>
      %swap3A_571 = arith.index_cast %add3A_557 : i32 to index
      %swap3A_572 = arith.constant 0 : index
      %swap3A_573 = tpu.vector_load %arg10[%swap3A_571, %swap3A_572] {strides = array<i32>} : memref<512x64xf32, #tpu.memory_space<vmem>>, vector<1x16xf32>,
      %swap3A_574 = vector.shape_cast %swap3A_573 : vector<1x16xf32> to vector<16xf32>
      %swap3A_575 = vector.shape_cast %select_n3A_570 : vector<16xf32> to vector<1x16xf32>
      tpu.vector_store %arg10[%swap3A_571, %swap3A_572], %swap3A_575 {strides = array<i32>} : memref<512x64xf32, #tpu.memory_space<vmem>>, vector<1x16xf32>,
      %get3A_576 = arith.index_cast %add3A_557 : i32 to index
      %get3A_577 = arith.constant 16 : index
      %get3A_578 = tpu.vector_load %arg9[%get3A_576, %get3A_577] {strides = array<i32>} : memref<512x64xf32, #tpu.memory_space<vmem>>, vector<1x16xf32>,
      %get3A_579 = vector.shape_cast %get3A_578 : vector<1x16xf32> to vector<16xf32>
      %get3A_580 = arith.index_cast %add3A_557 : i32 to index
      %get3A_581 = arith.constant 16 : index
      %get3A_582 = tpu.vector_load %arg10[%get3A_580, %get3A_581] {strides = array<i32>} : memref<512x64xf32, #tpu.memory_space<vmem>>, vector<1x16xf32>,
      %get3A_583 = vector.shape_cast %get3A_582 : vector<1x16xf32> to vector<16xf32>
      %select_n3A_584 = arith.select %eq3A_561, %get3A_579, %get3A_583 : vector<16xf32>
      %swap3A_585 = arith.index_cast %add3A_557 : i32 to index
      %swap3A_586 = arith.constant 16 : index
      %swap3A_587 = tpu.vector_load %arg10[%swap3A_585, %swap3A_586] {strides = array<i32>} : memref<512x64xf32, #tpu.memory_space<vmem>>, vector<1x16xf32>,
      %swap3A_588 = vector.shape_cast %swap3A_587 : vector<1x16xf32> to vector<16xf32>
      %swap3A_589 = vector.shape_cast %select_n3A_584 : vector<16xf32> to vector<1x16xf32>
      tpu.vector_store %arg10[%swap3A_585, %swap3A_586], %swap3A_589 {strides = array<i32>} : memref<512x64xf32, #tpu.memory_space<vmem>>, vector<1x16xf32>,
      %get3A_590 = arith.index_cast %add3A_557 : i32 to index
      %get3A_591 = arith.constant 32 : index
      %get3A_592 = tpu.vector_load %arg9[%get3A_590, %get3A_591] {strides = array<i32>} : memref<512x64xf32, #tpu.memory_space<vmem>>, vector<1x16xf32>,
      %get3A_593 = vector.shape_cast %get3A_592 : vector<1x16xf32> to vector<16xf32>
      %get3A_594 = arith.index_cast %add3A_557 : i32 to index
      %get3A_595 = arith.constant 32 : index
      %get3A_596 = tpu.vector_load %arg10[%get3A_594, %get3A_595] {strides = array<i32>} : memref<512x64xf32, #tpu.memory_space<vmem>>, vector<1x16xf32>,
      %get3A_597 = vector.shape_cast %get3A_596 : vector<1x16xf32> to vector<16xf32>
      %select_n3A_598 = arith.select %eq3A_561, %get3A_593, %get3A_597 : vector<16xf32>
      %swap3A_599 = arith.index_cast %add3A_557 : i32 to index
      %swap3A_600 = arith.constant 32 : index
      %swap3A_601 = tpu.vector_load %arg10[%swap3A_599, %swap3A_600] {strides = array<i32>} : memref<512x64xf32, #tpu.memory_space<vmem>>, vector<1x16xf32>,
      %swap3A_602 = vector.shape_cast %swap3A_601 : vector<1x16xf32> to vector<16xf32>
      %swap3A_603 = vector.shape_cast %select_n3A_598 : vector<16xf32> to vector<1x16xf32>
      tpu.vector_store %arg10[%swap3A_599, %swap3A_600], %swap3A_603 {strides = array<i32>} : memref<512x64xf32, #tpu.memory_space<vmem>>, vector<1x16xf32>,
      %get3A_604 = arith.index_cast %add3A_557 : i32 to index
      %get3A_605 = arith.constant 48 : index
      %get3A_606 = tpu.vector_load %arg9[%get3A_604, %get3A_605] {strides = array<i32>} : memref<512x64xf32, #tpu.memory_space<vmem>>, vector<1x16xf32>,
      %get3A_607 = vector.shape_cast %get3A_606 : vector<1x16xf32> to vector<16xf32>
      %get3A_608 = arith.index_cast %add3A_557 : i32 to index
      %get3A_609 = arith.constant 48 : index
      %get3A_610 = tpu.vector_load %arg10[%get3A_608, %get3A_609] {strides = array<i32>} : memref<512x64xf32, #tpu.memory_space<vmem>>, vector<1x16xf32>,
      %get3A_611 = vector.shape_cast %get3A_610 : vector<1x16xf32> to vector<16xf32>
      %select_n3A_612 = arith.select %eq3A_561, %get3A_607, %get3A_611 : vector<16xf32>
      %swap3A_613 = arith.index_cast %add3A_557 : i32 to index
      %swap3A_614 = arith.constant 48 : index
      %swap3A_615 = tpu.vector_load %arg10[%swap3A_613, %swap3A_614] {strides = array<i32>} : memref<512x64xf32, #tpu.memory_space<vmem>>, vector<1x16xf32>,
      %swap3A_616 = vector.shape_cast %swap3A_615 : vector<1x16xf32> to vector<16xf32>
      %swap3A_617 = vector.shape_cast %select_n3A_612 : vector<16xf32> to vector<1x16xf32>
      tpu.vector_store %arg10[%swap3A_613, %swap3A_614], %swap3A_617 {strides = array<i32>} : memref<512x64xf32, #tpu.memory_space<vmem>>, vector<1x16xf32>,
      %mul3A_618 = arith.constant 16 : i32
      %mul3A_619 = arith.muli %scan3A_104, %mul3A_618 : i32
      %add3A_620 = arith.constant 8 : i32
      %add3A_621 = arith.addi %mul3A_619, %add3A_620 : i32
      %slice3A_622 = vector.extract_strided_slice %rem3A_110 {offsets = [8], sizes = [1], strides = [1]} : vector<16xi32> to vector<1xi32>
      %squeeze3A_623 = vector.extract %slice3A_622[0] : i32 from vector<1xi32>
      %eq3A_624 = arith.constant 0 : i32
      %eq3A_625 = arith.cmpi eq, %squeeze3A_623, %eq3A_624 : i32
      %get3A_626 = arith.index_cast %add3A_621 : i32 to index
      %get3A_627 = arith.constant 0 : index
      %get3A_628 = tpu.vector_load %arg9[%get3A_626, %get3A_627] {strides = array<i32>} : memref<512x64xf32, #tpu.memory_space<vmem>>, vector<1x16xf32>,
      %get3A_629 = vector.shape_cast %get3A_628 : vector<1x16xf32> to vector<16xf32>
      %get3A_630 = arith.index_cast %add3A_621 : i32 to index
      %get3A_631 = arith.constant 0 : index
      %get3A_632 = tpu.vector_load %arg10[%get3A_630, %get3A_631] {strides = array<i32>} : memref<512x64xf32, #tpu.memory_space<vmem>>, vector<1x16xf32>,
      %get3A_633 = vector.shape_cast %get3A_632 : vector<1x16xf32> to vector<16xf32>
      %select_n3A_634 = arith.select %eq3A_625, %get3A_629, %get3A_633 : vector<16xf32>
      %swap3A_635 = arith.index_cast %add3A_621 : i32 to index
      %swap3A_636 = arith.constant 0 : index
      %swap3A_637 = tpu.vector_load %arg10[%swap3A_635, %swap3A_636] {strides = array<i32>} : memref<512x64xf32, #tpu.memory_space<vmem>>, vector<1x16xf32>,
      %swap3A_638 = vector.shape_cast %swap3A_637 : vector<1x16xf32> to vector<16xf32>
      %swap3A_639 = vector.shape_cast %select_n3A_634 : vector<16xf32> to vector<1x16xf32>
      tpu.vector_store %arg10[%swap3A_635, %swap3A_636], %swap3A_639 {strides = array<i32>} : memref<512x64xf32, #tpu.memory_space<vmem>>, vector<1x16xf32>,
      %get3A_640 = arith.index_cast %add3A_621 : i32 to index
      %get3A_641 = arith.constant 16 : index
      %get3A_642 = tpu.vector_load %arg9[%get3A_640, %get3A_641] {strides = array<i32>} : memref<512x64xf32, #tpu.memory_space<vmem>>, vector<1x16xf32>,
      %get3A_643 = vector.shape_cast %get3A_642 : vector<1x16xf32> to vector<16xf32>
      %get3A_644 = arith.index_cast %add3A_621 : i32 to index
      %get3A_645 = arith.constant 16 : index
      %get3A_646 = tpu.vector_load %arg10[%get3A_644, %get3A_645] {strides = array<i32>} : memref<512x64xf32, #tpu.memory_space<vmem>>, vector<1x16xf32>,
      %get3A_647 = vector.shape_cast %get3A_646 : vector<1x16xf32> to vector<16xf32>
      %select_n3A_648 = arith.select %eq3A_625, %get3A_643, %get3A_647 : vector<16xf32>
      %swap3A_649 = arith.index_cast %add3A_621 : i32 to index
      %swap3A_650 = arith.constant 16 : index
      %swap3A_651 = tpu.vector_load %arg10[%swap3A_649, %swap3A_650] {strides = array<i32>} : memref<512x64xf32, #tpu.memory_space<vmem>>, vector<1x16xf32>,
      %swap3A_652 = vector.shape_cast %swap3A_651 : vector<1x16xf32> to vector<16xf32>
      %swap3A_653 = vector.shape_cast %select_n3A_648 : vector<16xf32> to vector<1x16xf32>
      tpu.vector_store %arg10[%swap3A_649, %swap3A_650], %swap3A_653 {strides = array<i32>} : memref<512x64xf32, #tpu.memory_space<vmem>>, vector<1x16xf32>,
      %get3A_654 = arith.index_cast %add3A_621 : i32 to index
      %get3A_655 = arith.constant 32 : index
      %get3A_656 = tpu.vector_load %arg9[%get3A_654, %get3A_655] {strides = array<i32>} : memref<512x64xf32, #tpu.memory_space<vmem>>, vector<1x16xf32>,
      %get3A_657 = vector.shape_cast %get3A_656 : vector<1x16xf32> to vector<16xf32>
      %get3A_658 = arith.index_cast %add3A_621 : i32 to index
      %get3A_659 = arith.constant 32 : index
      %get3A_660 = tpu.vector_load %arg10[%get3A_658, %get3A_659] {strides = array<i32>} : memref<512x64xf32, #tpu.memory_space<vmem>>, vector<1x16xf32>,
      %get3A_661 = vector.shape_cast %get3A_660 : vector<1x16xf32> to vector<16xf32>
      %select_n3A_662 = arith.select %eq3A_625, %get3A_657, %get3A_661 : vector<16xf32>
      %swap3A_663 = arith.index_cast %add3A_621 : i32 to index
      %swap3A_664 = arith.constant 32 : index
      %swap3A_665 = tpu.vector_load %arg10[%swap3A_663, %swap3A_664] {strides = array<i32>} : memref<512x64xf32, #tpu.memory_space<vmem>>, vector<1x16xf32>,
      %swap3A_666 = vector.shape_cast %swap3A_665 : vector<1x16xf32> to vector<16xf32>
      %swap3A_667 = vector.shape_cast %select_n3A_662 : vector<16xf32> to vector<1x16xf32>
      tpu.vector_store %arg10[%swap3A_663, %swap3A_664], %swap3A_667 {strides = array<i32>} : memref<512x64xf32, #tpu.memory_space<vmem>>, vector<1x16xf32>,
      %get3A_668 = arith.index_cast %add3A_621 : i32 to index
      %get3A_669 = arith.constant 48 : index
      %get3A_670 = tpu.vector_load %arg9[%get3A_668, %get3A_669] {strides = array<i32>} : memref<512x64xf32, #tpu.memory_space<vmem>>, vector<1x16xf32>,
      %get3A_671 = vector.shape_cast %get3A_670 : vector<1x16xf32> to vector<16xf32>
      %get3A_672 = arith.index_cast %add3A_621 : i32 to index
      %get3A_673 = arith.constant 48 : index
      %get3A_674 = tpu.vector_load %arg10[%get3A_672, %get3A_673] {strides = array<i32>} : memref<512x64xf32, #tpu.memory_space<vmem>>, vector<1x16xf32>,
      %get3A_675 = vector.shape_cast %get3A_674 : vector<1x16xf32> to vector<16xf32>
      %select_n3A_676 = arith.select %eq3A_625, %get3A_671, %get3A_675 : vector<16xf32>
      %swap3A_677 = arith.index_cast %add3A_621 : i32 to index
      %swap3A_678 = arith.constant 48 : index
      %swap3A_679 = tpu.vector_load %arg10[%swap3A_677, %swap3A_678] {strides = array<i32>} : memref<512x64xf32, #tpu.memory_space<vmem>>, vector<1x16xf32>,
      %swap3A_680 = vector.shape_cast %swap3A_679 : vector<1x16xf32> to vector<16xf32>
      %swap3A_681 = vector.shape_cast %select_n3A_676 : vector<16xf32> to vector<1x16xf32>
      tpu.vector_store %arg10[%swap3A_677, %swap3A_678], %swap3A_681 {strides = array<i32>} : memref<512x64xf32, #tpu.memory_space<vmem>>, vector<1x16xf32>,
      %mul3A_682 = arith.constant 16 : i32
      %mul3A_683 = arith.muli %scan3A_104, %mul3A_682 : i32
      %add3A_684 = arith.constant 9 : i32
      %add3A_685 = arith.addi %mul3A_683, %add3A_684 : i32
      %slice3A_686 = vector.extract_strided_slice %rem3A_110 {offsets = [9], sizes = [1], strides = [1]} : vector<16xi32> to vector<1xi32>
      %squeeze3A_687 = vector.extract %slice3A_686[0] : i32 from vector<1xi32>
      %eq3A_688 = arith.constant 0 : i32
      %eq3A_689 = arith.cmpi eq, %squeeze3A_687, %eq3A_688 : i32
      %get3A_690 = arith.index_cast %add3A_685 : i32 to index
      %get3A_691 = arith.constant 0 : index
      %get3A_692 = tpu.vector_load %arg9[%get3A_690, %get3A_691] {strides = array<i32>} : memref<512x64xf32, #tpu.memory_space<vmem>>, vector<1x16xf32>,
      %get3A_693 = vector.shape_cast %get3A_692 : vector<1x16xf32> to vector<16xf32>
      %get3A_694 = arith.index_cast %add3A_685 : i32 to index
      %get3A_695 = arith.constant 0 : index
      %get3A_696 = tpu.vector_load %arg10[%get3A_694, %get3A_695] {strides = array<i32>} : memref<512x64xf32, #tpu.memory_space<vmem>>, vector<1x16xf32>,
      %get3A_697 = vector.shape_cast %get3A_696 : vector<1x16xf32> to vector<16xf32>
      %select_n3A_698 = arith.select %eq3A_689, %get3A_693, %get3A_697 : vector<16xf32>
      %swap3A_699 = arith.index_cast %add3A_685 : i32 to index
      %swap3A_700 = arith.constant 0 : index
      %swap3A_701 = tpu.vector_load %arg10[%swap3A_699, %swap3A_700] {strides = array<i32>} : memref<512x64xf32, #tpu.memory_space<vmem>>, vector<1x16xf32>,
      %swap3A_702 = vector.shape_cast %swap3A_701 : vector<1x16xf32> to vector<16xf32>
      %swap3A_703 = vector.shape_cast %select_n3A_698 : vector<16xf32> to vector<1x16xf32>
      tpu.vector_store %arg10[%swap3A_699, %swap3A_700], %swap3A_703 {strides = array<i32>} : memref<512x64xf32, #tpu.memory_space<vmem>>, vector<1x16xf32>,
      %get3A_704 = arith.index_cast %add3A_685 : i32 to index
      %get3A_705 = arith.constant 16 : index
      %get3A_706 = tpu.vector_load %arg9[%get3A_704, %get3A_705] {strides = array<i32>} : memref<512x64xf32, #tpu.memory_space<vmem>>, vector<1x16xf32>,
      %get3A_707 = vector.shape_cast %get3A_706 : vector<1x16xf32> to vector<16xf32>
      %get3A_708 = arith.index_cast %add3A_685 : i32 to index
      %get3A_709 = arith.constant 16 : index
      %get3A_710 = tpu.vector_load %arg10[%get3A_708, %get3A_709] {strides = array<i32>} : memref<512x64xf32, #tpu.memory_space<vmem>>, vector<1x16xf32>,
      %get3A_711 = vector.shape_cast %get3A_710 : vector<1x16xf32> to vector<16xf32>
      %select_n3A_712 = arith.select %eq3A_689, %get3A_707, %get3A_711 : vector<16xf32>
      %swap3A_713 = arith.index_cast %add3A_685 : i32 to index
      %swap3A_714 = arith.constant 16 : index
      %swap3A_715 = tpu.vector_load %arg10[%swap3A_713, %swap3A_714] {strides = array<i32>} : memref<512x64xf32, #tpu.memory_space<vmem>>, vector<1x16xf32>,
      %swap3A_716 = vector.shape_cast %swap3A_715 : vector<1x16xf32> to vector<16xf32>
      %swap3A_717 = vector.shape_cast %select_n3A_712 : vector<16xf32> to vector<1x16xf32>
      tpu.vector_store %arg10[%swap3A_713, %swap3A_714], %swap3A_717 {strides = array<i32>} : memref<512x64xf32, #tpu.memory_space<vmem>>, vector<1x16xf32>,
      %get3A_718 = arith.index_cast %add3A_685 : i32 to index
      %get3A_719 = arith.constant 32 : index
      %get3A_720 = tpu.vector_load %arg9[%get3A_718, %get3A_719] {strides = array<i32>} : memref<512x64xf32, #tpu.memory_space<vmem>>, vector<1x16xf32>,
      %get3A_721 = vector.shape_cast %get3A_720 : vector<1x16xf32> to vector<16xf32>
      %get3A_722 = arith.index_cast %add3A_685 : i32 to index
      %get3A_723 = arith.constant 32 : index
      %get3A_724 = tpu.vector_load %arg10[%get3A_722, %get3A_723] {strides = array<i32>} : memref<512x64xf32, #tpu.memory_space<vmem>>, vector<1x16xf32>,
      %get3A_725 = vector.shape_cast %get3A_724 : vector<1x16xf32> to vector<16xf32>
      %select_n3A_726 = arith.select %eq3A_689, %get3A_721, %get3A_725 : vector<16xf32>
      %swap3A_727 = arith.index_cast %add3A_685 : i32 to index
      %swap3A_728 = arith.constant 32 : index
      %swap3A_729 = tpu.vector_load %arg10[%swap3A_727, %swap3A_728] {strides = array<i32>} : memref<512x64xf32, #tpu.memory_space<vmem>>, vector<1x16xf32>,
      %swap3A_730 = vector.shape_cast %swap3A_729 : vector<1x16xf32> to vector<16xf32>
      %swap3A_731 = vector.shape_cast %select_n3A_726 : vector<16xf32> to vector<1x16xf32>
      tpu.vector_store %arg10[%swap3A_727, %swap3A_728], %swap3A_731 {strides = array<i32>} : memref<512x64xf32, #tpu.memory_space<vmem>>, vector<1x16xf32>,
      %get3A_732 = arith.index_cast %add3A_685 : i32 to index
      %get3A_733 = arith.constant 48 : index
      %get3A_734 = tpu.vector_load %arg9[%get3A_732, %get3A_733] {strides = array<i32>} : memref<512x64xf32, #tpu.memory_space<vmem>>, vector<1x16xf32>,
      %get3A_735 = vector.shape_cast %get3A_734 : vector<1x16xf32> to vector<16xf32>
      %get3A_736 = arith.index_cast %add3A_685 : i32 to index
      %get3A_737 = arith.constant 48 : index
      %get3A_738 = tpu.vector_load %arg10[%get3A_736, %get3A_737] {strides = array<i32>} : memref<512x64xf32, #tpu.memory_space<vmem>>, vector<1x16xf32>,
      %get3A_739 = vector.shape_cast %get3A_738 : vector<1x16xf32> to vector<16xf32>
      %select_n3A_740 = arith.select %eq3A_689, %get3A_735, %get3A_739 : vector<16xf32>
      %swap3A_741 = arith.index_cast %add3A_685 : i32 to index
      %swap3A_742 = arith.constant 48 : index
      %swap3A_743 = tpu.vector_load %arg10[%swap3A_741, %swap3A_742] {strides = array<i32>} : memref<512x64xf32, #tpu.memory_space<vmem>>, vector<1x16xf32>,
      %swap3A_744 = vector.shape_cast %swap3A_743 : vector<1x16xf32> to vector<16xf32>
      %swap3A_745 = vector.shape_cast %select_n3A_740 : vector<16xf32> to vector<1x16xf32>
      tpu.vector_store %arg10[%swap3A_741, %swap3A_742], %swap3A_745 {strides = array<i32>} : memref<512x64xf32, #tpu.memory_space<vmem>>, vector<1x16xf32>,
      %mul3A_746 = arith.constant 16 : i32
      %mul3A_747 = arith.muli %scan3A_104, %mul3A_746 : i32
      %add3A_748 = arith.constant 10 : i32
      %add3A_749 = arith.addi %mul3A_747, %add3A_748 : i32
      %slice3A_750 = vector.extract_strided_slice %rem3A_110 {offsets = [10], sizes = [1], strides = [1]} : vector<16xi32> to vector<1xi32>
      %squeeze3A_751 = vector.extract %slice3A_750[0] : i32 from vector<1xi32>
      %eq3A_752 = arith.constant 0 : i32
      %eq3A_753 = arith.cmpi eq, %squeeze3A_751, %eq3A_752 : i32
      %get3A_754 = arith.index_cast %add3A_749 : i32 to index
      %get3A_755 = arith.constant 0 : index
      %get3A_756 = tpu.vector_load %arg9[%get3A_754, %get3A_755] {strides = array<i32>} : memref<512x64xf32, #tpu.memory_space<vmem>>, vector<1x16xf32>,
      %get3A_757 = vector.shape_cast %get3A_756 : vector<1x16xf32> to vector<16xf32>
      %get3A_758 = arith.index_cast %add3A_749 : i32 to index
      %get3A_759 = arith.constant 0 : index
      %get3A_760 = tpu.vector_load %arg10[%get3A_758, %get3A_759] {strides = array<i32>} : memref<512x64xf32, #tpu.memory_space<vmem>>, vector<1x16xf32>,
      %get3A_761 = vector.shape_cast %get3A_760 : vector<1x16xf32> to vector<16xf32>
      %select_n3A_762 = arith.select %eq3A_753, %get3A_757, %get3A_761 : vector<16xf32>
      %swap3A_763 = arith.index_cast %add3A_749 : i32 to index
      %swap3A_764 = arith.constant 0 : index
      %swap3A_765 = tpu.vector_load %arg10[%swap3A_763, %swap3A_764] {strides = array<i32>} : memref<512x64xf32, #tpu.memory_space<vmem>>, vector<1x16xf32>,
      %swap3A_766 = vector.shape_cast %swap3A_765 : vector<1x16xf32> to vector<16xf32>
      %swap3A_767 = vector.shape_cast %select_n3A_762 : vector<16xf32> to vector<1x16xf32>
      tpu.vector_store %arg10[%swap3A_763, %swap3A_764], %swap3A_767 {strides = array<i32>} : memref<512x64xf32, #tpu.memory_space<vmem>>, vector<1x16xf32>,
      %get3A_768 = arith.index_cast %add3A_749 : i32 to index
      %get3A_769 = arith.constant 16 : index
      %get3A_770 = tpu.vector_load %arg9[%get3A_768, %get3A_769] {strides = array<i32>} : memref<512x64xf32, #tpu.memory_space<vmem>>, vector<1x16xf32>,
      %get3A_771 = vector.shape_cast %get3A_770 : vector<1x16xf32> to vector<16xf32>
      %get3A_772 = arith.index_cast %add3A_749 : i32 to index
      %get3A_773 = arith.constant 16 : index
      %get3A_774 = tpu.vector_load %arg10[%get3A_772, %get3A_773] {strides = array<i32>} : memref<512x64xf32, #tpu.memory_space<vmem>>, vector<1x16xf32>,
      %get3A_775 = vector.shape_cast %get3A_774 : vector<1x16xf32> to vector<16xf32>
      %select_n3A_776 = arith.select %eq3A_753, %get3A_771, %get3A_775 : vector<16xf32>
      %swap3A_777 = arith.index_cast %add3A_749 : i32 to index
      %swap3A_778 = arith.constant 16 : index
      %swap3A_779 = tpu.vector_load %arg10[%swap3A_777, %swap3A_778] {strides = array<i32>} : memref<512x64xf32, #tpu.memory_space<vmem>>, vector<1x16xf32>,
      %swap3A_780 = vector.shape_cast %swap3A_779 : vector<1x16xf32> to vector<16xf32>
      %swap3A_781 = vector.shape_cast %select_n3A_776 : vector<16xf32> to vector<1x16xf32>
      tpu.vector_store %arg10[%swap3A_777, %swap3A_778], %swap3A_781 {strides = array<i32>} : memref<512x64xf32, #tpu.memory_space<vmem>>, vector<1x16xf32>,
      %get3A_782 = arith.index_cast %add3A_749 : i32 to index
      %get3A_783 = arith.constant 32 : index
      %get3A_784 = tpu.vector_load %arg9[%get3A_782, %get3A_783] {strides = array<i32>} : memref<512x64xf32, #tpu.memory_space<vmem>>, vector<1x16xf32>,
      %get3A_785 = vector.shape_cast %get3A_784 : vector<1x16xf32> to vector<16xf32>
      %get3A_786 = arith.index_cast %add3A_749 : i32 to index
      %get3A_787 = arith.constant 32 : index
      %get3A_788 = tpu.vector_load %arg10[%get3A_786, %get3A_787] {strides = array<i32>} : memref<512x64xf32, #tpu.memory_space<vmem>>, vector<1x16xf32>,
      %get3A_789 = vector.shape_cast %get3A_788 : vector<1x16xf32> to vector<16xf32>
      %select_n3A_790 = arith.select %eq3A_753, %get3A_785, %get3A_789 : vector<16xf32>
      %swap3A_791 = arith.index_cast %add3A_749 : i32 to index
      %swap3A_792 = arith.constant 32 : index
      %swap3A_793 = tpu.vector_load %arg10[%swap3A_791, %swap3A_792] {strides = array<i32>} : memref<512x64xf32, #tpu.memory_space<vmem>>, vector<1x16xf32>,
      %swap3A_794 = vector.shape_cast %swap3A_793 : vector<1x16xf32> to vector<16xf32>
      %swap3A_795 = vector.shape_cast %select_n3A_790 : vector<16xf32> to vector<1x16xf32>
      tpu.vector_store %arg10[%swap3A_791, %swap3A_792], %swap3A_795 {strides = array<i32>} : memref<512x64xf32, #tpu.memory_space<vmem>>, vector<1x16xf32>,
      %get3A_796 = arith.index_cast %add3A_749 : i32 to index
      %get3A_797 = arith.constant 48 : index
      %get3A_798 = tpu.vector_load %arg9[%get3A_796, %get3A_797] {strides = array<i32>} : memref<512x64xf32, #tpu.memory_space<vmem>>, vector<1x16xf32>,
      %get3A_799 = vector.shape_cast %get3A_798 : vector<1x16xf32> to vector<16xf32>
      %get3A_800 = arith.index_cast %add3A_749 : i32 to index
      %get3A_801 = arith.constant 48 : index
      %get3A_802 = tpu.vector_load %arg10[%get3A_800, %get3A_801] {strides = array<i32>} : memref<512x64xf32, #tpu.memory_space<vmem>>, vector<1x16xf32>,
      %get3A_803 = vector.shape_cast %get3A_802 : vector<1x16xf32> to vector<16xf32>
      %select_n3A_804 = arith.select %eq3A_753, %get3A_799, %get3A_803 : vector<16xf32>
      %swap3A_805 = arith.index_cast %add3A_749 : i32 to index
      %swap3A_806 = arith.constant 48 : index
      %swap3A_807 = tpu.vector_load %arg10[%swap3A_805, %swap3A_806] {strides = array<i32>} : memref<512x64xf32, #tpu.memory_space<vmem>>, vector<1x16xf32>,
      %swap3A_808 = vector.shape_cast %swap3A_807 : vector<1x16xf32> to vector<16xf32>
      %swap3A_809 = vector.shape_cast %select_n3A_804 : vector<16xf32> to vector<1x16xf32>
      tpu.vector_store %arg10[%swap3A_805, %swap3A_806], %swap3A_809 {strides = array<i32>} : memref<512x64xf32, #tpu.memory_space<vmem>>, vector<1x16xf32>,
      %mul3A_810 = arith.constant 16 : i32
      %mul3A_811 = arith.muli %scan3A_104, %mul3A_810 : i32
      %add3A_812 = arith.constant 11 : i32
      %add3A_813 = arith.addi %mul3A_811, %add3A_812 : i32
      %slice3A_814 = vector.extract_strided_slice %rem3A_110 {offsets = [11], sizes = [1], strides = [1]} : vector<16xi32> to vector<1xi32>
      %squeeze3A_815 = vector.extract %slice3A_814[0] : i32 from vector<1xi32>
      %eq3A_816 = arith.constant 0 : i32
      %eq3A_817 = arith.cmpi eq, %squeeze3A_815, %eq3A_816 : i32
      %get3A_818 = arith.index_cast %add3A_813 : i32 to index
      %get3A_819 = arith.constant 0 : index
      %get3A_820 = tpu.vector_load %arg9[%get3A_818, %get3A_819] {strides = array<i32>} : memref<512x64xf32, #tpu.memory_space<vmem>>, vector<1x16xf32>,
      %get3A_821 = vector.shape_cast %get3A_820 : vector<1x16xf32> to vector<16xf32>
      %get3A_822 = arith.index_cast %add3A_813 : i32 to index
      %get3A_823 = arith.constant 0 : index
      %get3A_824 = tpu.vector_load %arg10[%get3A_822, %get3A_823] {strides = array<i32>} : memref<512x64xf32, #tpu.memory_space<vmem>>, vector<1x16xf32>,
      %get3A_825 = vector.shape_cast %get3A_824 : vector<1x16xf32> to vector<16xf32>
      %select_n3A_826 = arith.select %eq3A_817, %get3A_821, %get3A_825 : vector<16xf32>
      %swap3A_827 = arith.index_cast %add3A_813 : i32 to index
      %swap3A_828 = arith.constant 0 : index
      %swap3A_829 = tpu.vector_load %arg10[%swap3A_827, %swap3A_828] {strides = array<i32>} : memref<512x64xf32, #tpu.memory_space<vmem>>, vector<1x16xf32>,
      %swap3A_830 = vector.shape_cast %swap3A_829 : vector<1x16xf32> to vector<16xf32>
      %swap3A_831 = vector.shape_cast %select_n3A_826 : vector<16xf32> to vector<1x16xf32>
      tpu.vector_store %arg10[%swap3A_827, %swap3A_828], %swap3A_831 {strides = array<i32>} : memref<512x64xf32, #tpu.memory_space<vmem>>, vector<1x16xf32>,
      %get3A_832 = arith.index_cast %add3A_813 : i32 to index
      %get3A_833 = arith.constant 16 : index
      %get3A_834 = tpu.vector_load %arg9[%get3A_832, %get3A_833] {strides = array<i32>} : memref<512x64xf32, #tpu.memory_space<vmem>>, vector<1x16xf32>,
      %get3A_835 = vector.shape_cast %get3A_834 : vector<1x16xf32> to vector<16xf32>
      %get3A_836 = arith.index_cast %add3A_813 : i32 to index
      %get3A_837 = arith.constant 16 : index
      %get3A_838 = tpu.vector_load %arg10[%get3A_836, %get3A_837] {strides = array<i32>} : memref<512x64xf32, #tpu.memory_space<vmem>>, vector<1x16xf32>,
      %get3A_839 = vector.shape_cast %get3A_838 : vector<1x16xf32> to vector<16xf32>
      %select_n3A_840 = arith.select %eq3A_817, %get3A_835, %get3A_839 : vector<16xf32>
      %swap3A_841 = arith.index_cast %add3A_813 : i32 to index
      %swap3A_842 = arith.constant 16 : index
      %swap3A_843 = tpu.vector_load %arg10[%swap3A_841, %swap3A_842] {strides = array<i32>} : memref<512x64xf32, #tpu.memory_space<vmem>>, vector<1x16xf32>,
      %swap3A_844 = vector.shape_cast %swap3A_843 : vector<1x16xf32> to vector<16xf32>
      %swap3A_845 = vector.shape_cast %select_n3A_840 : vector<16xf32> to vector<1x16xf32>
      tpu.vector_store %arg10[%swap3A_841, %swap3A_842], %swap3A_845 {strides = array<i32>} : memref<512x64xf32, #tpu.memory_space<vmem>>, vector<1x16xf32>,
      %get3A_846 = arith.index_cast %add3A_813 : i32 to index
      %get3A_847 = arith.constant 32 : index
      %get3A_848 = tpu.vector_load %arg9[%get3A_846, %get3A_847] {strides = array<i32>} : memref<512x64xf32, #tpu.memory_space<vmem>>, vector<1x16xf32>,
      %get3A_849 = vector.shape_cast %get3A_848 : vector<1x16xf32> to vector<16xf32>
      %get3A_850 = arith.index_cast %add3A_813 : i32 to index
      %get3A_851 = arith.constant 32 : index
      %get3A_852 = tpu.vector_load %arg10[%get3A_850, %get3A_851] {strides = array<i32>} : memref<512x64xf32, #tpu.memory_space<vmem>>, vector<1x16xf32>,
      %get3A_853 = vector.shape_cast %get3A_852 : vector<1x16xf32> to vector<16xf32>
      %select_n3A_854 = arith.select %eq3A_817, %get3A_849, %get3A_853 : vector<16xf32>
      %swap3A_855 = arith.index_cast %add3A_813 : i32 to index
      %swap3A_856 = arith.constant 32 : index
      %swap3A_857 = tpu.vector_load %arg10[%swap3A_855, %swap3A_856] {strides = array<i32>} : memref<512x64xf32, #tpu.memory_space<vmem>>, vector<1x16xf32>,
      %swap3A_858 = vector.shape_cast %swap3A_857 : vector<1x16xf32> to vector<16xf32>
      %swap3A_859 = vector.shape_cast %select_n3A_854 : vector<16xf32> to vector<1x16xf32>
      tpu.vector_store %arg10[%swap3A_855, %swap3A_856], %swap3A_859 {strides = array<i32>} : memref<512x64xf32, #tpu.memory_space<vmem>>, vector<1x16xf32>,
      %get3A_860 = arith.index_cast %add3A_813 : i32 to index
      %get3A_861 = arith.constant 48 : index
      %get3A_862 = tpu.vector_load %arg9[%get3A_860, %get3A_861] {strides = array<i32>} : memref<512x64xf32, #tpu.memory_space<vmem>>, vector<1x16xf32>,
      %get3A_863 = vector.shape_cast %get3A_862 : vector<1x16xf32> to vector<16xf32>
      %get3A_864 = arith.index_cast %add3A_813 : i32 to index
      %get3A_865 = arith.constant 48 : index
      %get3A_866 = tpu.vector_load %arg10[%get3A_864, %get3A_865] {strides = array<i32>} : memref<512x64xf32, #tpu.memory_space<vmem>>, vector<1x16xf32>,
      %get3A_867 = vector.shape_cast %get3A_866 : vector<1x16xf32> to vector<16xf32>
      %select_n3A_868 = arith.select %eq3A_817, %get3A_863, %get3A_867 : vector<16xf32>
      %swap3A_869 = arith.index_cast %add3A_813 : i32 to index
      %swap3A_870 = arith.constant 48 : index
      %swap3A_871 = tpu.vector_load %arg10[%swap3A_869, %swap3A_870] {strides = array<i32>} : memref<512x64xf32, #tpu.memory_space<vmem>>, vector<1x16xf32>,
      %swap3A_872 = vector.shape_cast %swap3A_871 : vector<1x16xf32> to vector<16xf32>
      %swap3A_873 = vector.shape_cast %select_n3A_868 : vector<16xf32> to vector<1x16xf32>
      tpu.vector_store %arg10[%swap3A_869, %swap3A_870], %swap3A_873 {strides = array<i32>} : memref<512x64xf32, #tpu.memory_space<vmem>>, vector<1x16xf32>,
      %mul3A_874 = arith.constant 16 : i32
      %mul3A_875 = arith.muli %scan3A_104, %mul3A_874 : i32
      %add3A_876 = arith.constant 12 : i32
      %add3A_877 = arith.addi %mul3A_875, %add3A_876 : i32
      %slice3A_878 = vector.extract_strided_slice %rem3A_110 {offsets = [12], sizes = [1], strides = [1]} : vector<16xi32> to vector<1xi32>
      %squeeze3A_879 = vector.extract %slice3A_878[0] : i32 from vector<1xi32>
      %eq3A_880 = arith.constant 0 : i32
      %eq3A_881 = arith.cmpi eq, %squeeze3A_879, %eq3A_880 : i32
      %get3A_882 = arith.index_cast %add3A_877 : i32 to index
      %get3A_883 = arith.constant 0 : index
      %get3A_884 = tpu.vector_load %arg9[%get3A_882, %get3A_883] {strides = array<i32>} : memref<512x64xf32, #tpu.memory_space<vmem>>, vector<1x16xf32>,
      %get3A_885 = vector.shape_cast %get3A_884 : vector<1x16xf32> to vector<16xf32>
      %get3A_886 = arith.index_cast %add3A_877 : i32 to index
      %get3A_887 = arith.constant 0 : index
      %get3A_888 = tpu.vector_load %arg10[%get3A_886, %get3A_887] {strides = array<i32>} : memref<512x64xf32, #tpu.memory_space<vmem>>, vector<1x16xf32>,
      %get3A_889 = vector.shape_cast %get3A_888 : vector<1x16xf32> to vector<16xf32>
      %select_n3A_890 = arith.select %eq3A_881, %get3A_885, %get3A_889 : vector<16xf32>
      %swap3A_891 = arith.index_cast %add3A_877 : i32 to index
      %swap3A_892 = arith.constant 0 : index
      %swap3A_893 = tpu.vector_load %arg10[%swap3A_891, %swap3A_892] {strides = array<i32>} : memref<512x64xf32, #tpu.memory_space<vmem>>, vector<1x16xf32>,
      %swap3A_894 = vector.shape_cast %swap3A_893 : vector<1x16xf32> to vector<16xf32>
      %swap3A_895 = vector.shape_cast %select_n3A_890 : vector<16xf32> to vector<1x16xf32>
      tpu.vector_store %arg10[%swap3A_891, %swap3A_892], %swap3A_895 {strides = array<i32>} : memref<512x64xf32, #tpu.memory_space<vmem>>, vector<1x16xf32>,
      %get3A_896 = arith.index_cast %add3A_877 : i32 to index
      %get3A_897 = arith.constant 16 : index
      %get3A_898 = tpu.vector_load %arg9[%get3A_896, %get3A_897] {strides = array<i32>} : memref<512x64xf32, #tpu.memory_space<vmem>>, vector<1x16xf32>,
      %get3A_899 = vector.shape_cast %get3A_898 : vector<1x16xf32> to vector<16xf32>
      %get3A_900 = arith.index_cast %add3A_877 : i32 to index
      %get3A_901 = arith.constant 16 : index
      %get3A_902 = tpu.vector_load %arg10[%get3A_900, %get3A_901] {strides = array<i32>} : memref<512x64xf32, #tpu.memory_space<vmem>>, vector<1x16xf32>,
      %get3A_903 = vector.shape_cast %get3A_902 : vector<1x16xf32> to vector<16xf32>
      %select_n3A_904 = arith.select %eq3A_881, %get3A_899, %get3A_903 : vector<16xf32>
      %swap3A_905 = arith.index_cast %add3A_877 : i32 to index
      %swap3A_906 = arith.constant 16 : index
      %swap3A_907 = tpu.vector_load %arg10[%swap3A_905, %swap3A_906] {strides = array<i32>} : memref<512x64xf32, #tpu.memory_space<vmem>>, vector<1x16xf32>,
      %swap3A_908 = vector.shape_cast %swap3A_907 : vector<1x16xf32> to vector<16xf32>
      %swap3A_909 = vector.shape_cast %select_n3A_904 : vector<16xf32> to vector<1x16xf32>
      tpu.vector_store %arg10[%swap3A_905, %swap3A_906], %swap3A_909 {strides = array<i32>} : memref<512x64xf32, #tpu.memory_space<vmem>>, vector<1x16xf32>,
      %get3A_910 = arith.index_cast %add3A_877 : i32 to index
      %get3A_911 = arith.constant 32 : index
      %get3A_912 = tpu.vector_load %arg9[%get3A_910, %get3A_911] {strides = array<i32>} : memref<512x64xf32, #tpu.memory_space<vmem>>, vector<1x16xf32>,
      %get3A_913 = vector.shape_cast %get3A_912 : vector<1x16xf32> to vector<16xf32>
      %get3A_914 = arith.index_cast %add3A_877 : i32 to index
      %get3A_915 = arith.constant 32 : index
      %get3A_916 = tpu.vector_load %arg10[%get3A_914, %get3A_915] {strides = array<i32>} : memref<512x64xf32, #tpu.memory_space<vmem>>, vector<1x16xf32>,
      %get3A_917 = vector.shape_cast %get3A_916 : vector<1x16xf32> to vector<16xf32>
      %select_n3A_918 = arith.select %eq3A_881, %get3A_913, %get3A_917 : vector<16xf32>
      %swap3A_919 = arith.index_cast %add3A_877 : i32 to index
      %swap3A_920 = arith.constant 32 : index
      %swap3A_921 = tpu.vector_load %arg10[%swap3A_919, %swap3A_920] {strides = array<i32>} : memref<512x64xf32, #tpu.memory_space<vmem>>, vector<1x16xf32>,
      %swap3A_922 = vector.shape_cast %swap3A_921 : vector<1x16xf32> to vector<16xf32>
      %swap3A_923 = vector.shape_cast %select_n3A_918 : vector<16xf32> to vector<1x16xf32>
      tpu.vector_store %arg10[%swap3A_919, %swap3A_920], %swap3A_923 {strides = array<i32>} : memref<512x64xf32, #tpu.memory_space<vmem>>, vector<1x16xf32>,
      %get3A_924 = arith.index_cast %add3A_877 : i32 to index
      %get3A_925 = arith.constant 48 : index
      %get3A_926 = tpu.vector_load %arg9[%get3A_924, %get3A_925] {strides = array<i32>} : memref<512x64xf32, #tpu.memory_space<vmem>>, vector<1x16xf32>,
      %get3A_927 = vector.shape_cast %get3A_926 : vector<1x16xf32> to vector<16xf32>
      %get3A_928 = arith.index_cast %add3A_877 : i32 to index
      %get3A_929 = arith.constant 48 : index
      %get3A_930 = tpu.vector_load %arg10[%get3A_928, %get3A_929] {strides = array<i32>} : memref<512x64xf32, #tpu.memory_space<vmem>>, vector<1x16xf32>,
      %get3A_931 = vector.shape_cast %get3A_930 : vector<1x16xf32> to vector<16xf32>
      %select_n3A_932 = arith.select %eq3A_881, %get3A_927, %get3A_931 : vector<16xf32>
      %swap3A_933 = arith.index_cast %add3A_877 : i32 to index
      %swap3A_934 = arith.constant 48 : index
      %swap3A_935 = tpu.vector_load %arg10[%swap3A_933, %swap3A_934] {strides = array<i32>} : memref<512x64xf32, #tpu.memory_space<vmem>>, vector<1x16xf32>,
      %swap3A_936 = vector.shape_cast %swap3A_935 : vector<1x16xf32> to vector<16xf32>
      %swap3A_937 = vector.shape_cast %select_n3A_932 : vector<16xf32> to vector<1x16xf32>
      tpu.vector_store %arg10[%swap3A_933, %swap3A_934], %swap3A_937 {strides = array<i32>} : memref<512x64xf32, #tpu.memory_space<vmem>>, vector<1x16xf32>,
      %mul3A_938 = arith.constant 16 : i32
      %mul3A_939 = arith.muli %scan3A_104, %mul3A_938 : i32
      %add3A_940 = arith.constant 13 : i32
      %add3A_941 = arith.addi %mul3A_939, %add3A_940 : i32
      %slice3A_942 = vector.extract_strided_slice %rem3A_110 {offsets = [13], sizes = [1], strides = [1]} : vector<16xi32> to vector<1xi32>
      %squeeze3A_943 = vector.extract %slice3A_942[0] : i32 from vector<1xi32>
      %eq3A_944 = arith.constant 0 : i32
      %eq3A_945 = arith.cmpi eq, %squeeze3A_943, %eq3A_944 : i32
      %get3A_946 = arith.index_cast %add3A_941 : i32 to index
      %get3A_947 = arith.constant 0 : index
      %get3A_948 = tpu.vector_load %arg9[%get3A_946, %get3A_947] {strides = array<i32>} : memref<512x64xf32, #tpu.memory_space<vmem>>, vector<1x16xf32>,
      %get3A_949 = vector.shape_cast %get3A_948 : vector<1x16xf32> to vector<16xf32>
      %get3A_950 = arith.index_cast %add3A_941 : i32 to index
      %get3A_951 = arith.constant 0 : index
      %get3A_952 = tpu.vector_load %arg10[%get3A_950, %get3A_951] {strides = array<i32>} : memref<512x64xf32, #tpu.memory_space<vmem>>, vector<1x16xf32>,
      %get3A_953 = vector.shape_cast %get3A_952 : vector<1x16xf32> to vector<16xf32>
      %select_n3A_954 = arith.select %eq3A_945, %get3A_949, %get3A_953 : vector<16xf32>
      %swap3A_955 = arith.index_cast %add3A_941 : i32 to index
      %swap3A_956 = arith.constant 0 : index
      %swap3A_957 = tpu.vector_load %arg10[%swap3A_955, %swap3A_956] {strides = array<i32>} : memref<512x64xf32, #tpu.memory_space<vmem>>, vector<1x16xf32>,
      %swap3A_958 = vector.shape_cast %swap3A_957 : vector<1x16xf32> to vector<16xf32>
      %swap3A_959 = vector.shape_cast %select_n3A_954 : vector<16xf32> to vector<1x16xf32>
      tpu.vector_store %arg10[%swap3A_955, %swap3A_956], %swap3A_959 {strides = array<i32>} : memref<512x64xf32, #tpu.memory_space<vmem>>, vector<1x16xf32>,
      %get3A_960 = arith.index_cast %add3A_941 : i32 to index
      %get3A_961 = arith.constant 16 : index
      %get3A_962 = tpu.vector_load %arg9[%get3A_960, %get3A_961] {strides = array<i32>} : memref<512x64xf32, #tpu.memory_space<vmem>>, vector<1x16xf32>,
      %get3A_963 = vector.shape_cast %get3A_962 : vector<1x16xf32> to vector<16xf32>
      %get3A_964 = arith.index_cast %add3A_941 : i32 to index
      %get3A_965 = arith.constant 16 : index
      %get3A_966 = tpu.vector_load %arg10[%get3A_964, %get3A_965] {strides = array<i32>} : memref<512x64xf32, #tpu.memory_space<vmem>>, vector<1x16xf32>,
      %get3A_967 = vector.shape_cast %get3A_966 : vector<1x16xf32> to vector<16xf32>
      %select_n3A_968 = arith.select %eq3A_945, %get3A_963, %get3A_967 : vector<16xf32>
      %swap3A_969 = arith.index_cast %add3A_941 : i32 to index
      %swap3A_970 = arith.constant 16 : index
      %swap3A_971 = tpu.vector_load %arg10[%swap3A_969, %swap3A_970] {strides = array<i32>} : memref<512x64xf32, #tpu.memory_space<vmem>>, vector<1x16xf32>,
      %swap3A_972 = vector.shape_cast %swap3A_971 : vector<1x16xf32> to vector<16xf32>
      %swap3A_973 = vector.shape_cast %select_n3A_968 : vector<16xf32> to vector<1x16xf32>
      tpu.vector_store %arg10[%swap3A_969, %swap3A_970], %swap3A_973 {strides = array<i32>} : memref<512x64xf32, #tpu.memory_space<vmem>>, vector<1x16xf32>,
      %get3A_974 = arith.index_cast %add3A_941 : i32 to index
      %get3A_975 = arith.constant 32 : index
      %get3A_976 = tpu.vector_load %arg9[%get3A_974, %get3A_975] {strides = array<i32>} : memref<512x64xf32, #tpu.memory_space<vmem>>, vector<1x16xf32>,
      %get3A_977 = vector.shape_cast %get3A_976 : vector<1x16xf32> to vector<16xf32>
      %get3A_978 = arith.index_cast %add3A_941 : i32 to index
      %get3A_979 = arith.constant 32 : index
      %get3A_980 = tpu.vector_load %arg10[%get3A_978, %get3A_979] {strides = array<i32>} : memref<512x64xf32, #tpu.memory_space<vmem>>, vector<1x16xf32>,
      %get3A_981 = vector.shape_cast %get3A_980 : vector<1x16xf32> to vector<16xf32>
      %select_n3A_982 = arith.select %eq3A_945, %get3A_977, %get3A_981 : vector<16xf32>
      %swap3A_983 = arith.index_cast %add3A_941 : i32 to index
      %swap3A_984 = arith.constant 32 : index
      %swap3A_985 = tpu.vector_load %arg10[%swap3A_983, %swap3A_984] {strides = array<i32>} : memref<512x64xf32, #tpu.memory_space<vmem>>, vector<1x16xf32>,
      %swap3A_986 = vector.shape_cast %swap3A_985 : vector<1x16xf32> to vector<16xf32>
      %swap3A_987 = vector.shape_cast %select_n3A_982 : vector<16xf32> to vector<1x16xf32>
      tpu.vector_store %arg10[%swap3A_983, %swap3A_984], %swap3A_987 {strides = array<i32>} : memref<512x64xf32, #tpu.memory_space<vmem>>, vector<1x16xf32>,
      %get3A_988 = arith.index_cast %add3A_941 : i32 to index
      %get3A_989 = arith.constant 48 : index
      %get3A_990 = tpu.vector_load %arg9[%get3A_988, %get3A_989] {strides = array<i32>} : memref<512x64xf32, #tpu.memory_space<vmem>>, vector<1x16xf32>,
      %get3A_991 = vector.shape_cast %get3A_990 : vector<1x16xf32> to vector<16xf32>
      %get3A_992 = arith.index_cast %add3A_941 : i32 to index
      %get3A_993 = arith.constant 48 : index
      %get3A_994 = tpu.vector_load %arg10[%get3A_992, %get3A_993] {strides = array<i32>} : memref<512x64xf32, #tpu.memory_space<vmem>>, vector<1x16xf32>,
      %get3A_995 = vector.shape_cast %get3A_994 : vector<1x16xf32> to vector<16xf32>
      %select_n3A_996 = arith.select %eq3A_945, %get3A_991, %get3A_995 : vector<16xf32>
      %swap3A_997 = arith.index_cast %add3A_941 : i32 to index
      %swap3A_998 = arith.constant 48 : index
      %swap3A_999 = tpu.vector_load %arg10[%swap3A_997, %swap3A_998] {strides = array<i32>} : memref<512x64xf32, #tpu.memory_space<vmem>>, vector<1x16xf32>,
      %swap3A_1000 = vector.shape_cast %swap3A_999 : vector<1x16xf32> to vector<16xf32>
      %swap3A_1001 = vector.shape_cast %select_n3A_996 : vector<16xf32> to vector<1x16xf32>
      tpu.vector_store %arg10[%swap3A_997, %swap3A_998], %swap3A_1001 {strides = array<i32>} : memref<512x64xf32, #tpu.memory_space<vmem>>, vector<1x16xf32>,
      %mul3A_1002 = arith.constant 16 : i32
      %mul3A_1003 = arith.muli %scan3A_104, %mul3A_1002 : i32
      %add3A_1004 = arith.constant 14 : i32
      %add3A_1005 = arith.addi %mul3A_1003, %add3A_1004 : i32
      %slice3A_1006 = vector.extract_strided_slice %rem3A_110 {offsets = [14], sizes = [1], strides = [1]} : vector<16xi32> to vector<1xi32>
      %squeeze3A_1007 = vector.extract %slice3A_1006[0] : i32 from vector<1xi32>
      %eq3A_1008 = arith.constant 0 : i32
      %eq3A_1009 = arith.cmpi eq, %squeeze3A_1007, %eq3A_1008 : i32
      %get3A_1010 = arith.index_cast %add3A_1005 : i32 to index
      %get3A_1011 = arith.constant 0 : index
      %get3A_1012 = tpu.vector_load %arg9[%get3A_1010, %get3A_1011] {strides = array<i32>} : memref<512x64xf32, #tpu.memory_space<vmem>>, vector<1x16xf32>,
      %get3A_1013 = vector.shape_cast %get3A_1012 : vector<1x16xf32> to vector<16xf32>
      %get3A_1014 = arith.index_cast %add3A_1005 : i32 to index
      %get3A_1015 = arith.constant 0 : index
      %get3A_1016 = tpu.vector_load %arg10[%get3A_1014, %get3A_1015] {strides = array<i32>} : memref<512x64xf32, #tpu.memory_space<vmem>>, vector<1x16xf32>,
      %get3A_1017 = vector.shape_cast %get3A_1016 : vector<1x16xf32> to vector<16xf32>
      %select_n3A_1018 = arith.select %eq3A_1009, %get3A_1013, %get3A_1017 : vector<16xf32>
      %swap3A_1019 = arith.index_cast %add3A_1005 : i32 to index
      %swap3A_1020 = arith.constant 0 : index
      %swap3A_1021 = tpu.vector_load %arg10[%swap3A_1019, %swap3A_1020] {strides = array<i32>} : memref<512x64xf32, #tpu.memory_space<vmem>>, vector<1x16xf32>,
      %swap3A_1022 = vector.shape_cast %swap3A_1021 : vector<1x16xf32> to vector<16xf32>
      %swap3A_1023 = vector.shape_cast %select_n3A_1018 : vector<16xf32> to vector<1x16xf32>
      tpu.vector_store %arg10[%swap3A_1019, %swap3A_1020], %swap3A_1023 {strides = array<i32>} : memref<512x64xf32, #tpu.memory_space<vmem>>, vector<1x16xf32>,
      %get3A_1024 = arith.index_cast %add3A_1005 : i32 to index
      %get3A_1025 = arith.constant 16 : index
      %get3A_1026 = tpu.vector_load %arg9[%get3A_1024, %get3A_1025] {strides = array<i32>} : memref<512x64xf32, #tpu.memory_space<vmem>>, vector<1x16xf32>,
      %get3A_1027 = vector.shape_cast %get3A_1026 : vector<1x16xf32> to vector<16xf32>
      %get3A_1028 = arith.index_cast %add3A_1005 : i32 to index
      %get3A_1029 = arith.constant 16 : index
      %get3A_1030 = tpu.vector_load %arg10[%get3A_1028, %get3A_1029] {strides = array<i32>} : memref<512x64xf32, #tpu.memory_space<vmem>>, vector<1x16xf32>,
      %get3A_1031 = vector.shape_cast %get3A_1030 : vector<1x16xf32> to vector<16xf32>
      %select_n3A_1032 = arith.select %eq3A_1009, %get3A_1027, %get3A_1031 : vector<16xf32>
      %swap3A_1033 = arith.index_cast %add3A_1005 : i32 to index
      %swap3A_1034 = arith.constant 16 : index
      %swap3A_1035 = tpu.vector_load %arg10[%swap3A_1033, %swap3A_1034] {strides = array<i32>} : memref<512x64xf32, #tpu.memory_space<vmem>>, vector<1x16xf32>,
      %swap3A_1036 = vector.shape_cast %swap3A_1035 : vector<1x16xf32> to vector<16xf32>
      %swap3A_1037 = vector.shape_cast %select_n3A_1032 : vector<16xf32> to vector<1x16xf32>
      tpu.vector_store %arg10[%swap3A_1033, %swap3A_1034], %swap3A_1037 {strides = array<i32>} : memref<512x64xf32, #tpu.memory_space<vmem>>, vector<1x16xf32>,
      %get3A_1038 = arith.index_cast %add3A_1005 : i32 to index
      %get3A_1039 = arith.constant 32 : index
      %get3A_1040 = tpu.vector_load %arg9[%get3A_1038, %get3A_1039] {strides = array<i32>} : memref<512x64xf32, #tpu.memory_space<vmem>>, vector<1x16xf32>,
      %get3A_1041 = vector.shape_cast %get3A_1040 : vector<1x16xf32> to vector<16xf32>
      %get3A_1042 = arith.index_cast %add3A_1005 : i32 to index
      %get3A_1043 = arith.constant 32 : index
      %get3A_1044 = tpu.vector_load %arg10[%get3A_1042, %get3A_1043] {strides = array<i32>} : memref<512x64xf32, #tpu.memory_space<vmem>>, vector<1x16xf32>,
      %get3A_1045 = vector.shape_cast %get3A_1044 : vector<1x16xf32> to vector<16xf32>
      %select_n3A_1046 = arith.select %eq3A_1009, %get3A_1041, %get3A_1045 : vector<16xf32>
      %swap3A_1047 = arith.index_cast %add3A_1005 : i32 to index
      %swap3A_1048 = arith.constant 32 : index
      %swap3A_1049 = tpu.vector_load %arg10[%swap3A_1047, %swap3A_1048] {strides = array<i32>} : memref<512x64xf32, #tpu.memory_space<vmem>>, vector<1x16xf32>,
      %swap3A_1050 = vector.shape_cast %swap3A_1049 : vector<1x16xf32> to vector<16xf32>
      %swap3A_1051 = vector.shape_cast %select_n3A_1046 : vector<16xf32> to vector<1x16xf32>
      tpu.vector_store %arg10[%swap3A_1047, %swap3A_1048], %swap3A_1051 {strides = array<i32>} : memref<512x64xf32, #tpu.memory_space<vmem>>, vector<1x16xf32>,
      %get3A_1052 = arith.index_cast %add3A_1005 : i32 to index
      %get3A_1053 = arith.constant 48 : index
      %get3A_1054 = tpu.vector_load %arg9[%get3A_1052, %get3A_1053] {strides = array<i32>} : memref<512x64xf32, #tpu.memory_space<vmem>>, vector<1x16xf32>,
      %get3A_1055 = vector.shape_cast %get3A_1054 : vector<1x16xf32> to vector<16xf32>
      %get3A_1056 = arith.index_cast %add3A_1005 : i32 to index
      %get3A_1057 = arith.constant 48 : index
      %get3A_1058 = tpu.vector_load %arg10[%get3A_1056, %get3A_1057] {strides = array<i32>} : memref<512x64xf32, #tpu.memory_space<vmem>>, vector<1x16xf32>,
      %get3A_1059 = vector.shape_cast %get3A_1058 : vector<1x16xf32> to vector<16xf32>
      %select_n3A_1060 = arith.select %eq3A_1009, %get3A_1055, %get3A_1059 : vector<16xf32>
      %swap3A_1061 = arith.index_cast %add3A_1005 : i32 to index
      %swap3A_1062 = arith.constant 48 : index
      %swap3A_1063 = tpu.vector_load %arg10[%swap3A_1061, %swap3A_1062] {strides = array<i32>} : memref<512x64xf32, #tpu.memory_space<vmem>>, vector<1x16xf32>,
      %swap3A_1064 = vector.shape_cast %swap3A_1063 : vector<1x16xf32> to vector<16xf32>
      %swap3A_1065 = vector.shape_cast %select_n3A_1060 : vector<16xf32> to vector<1x16xf32>
      tpu.vector_store %arg10[%swap3A_1061, %swap3A_1062], %swap3A_1065 {strides = array<i32>} : memref<512x64xf32, #tpu.memory_space<vmem>>, vector<1x16xf32>,
      %mul3A_1066 = arith.constant 16 : i32
      %mul3A_1067 = arith.muli %scan3A_104, %mul3A_1066 : i32
      %add3A_1068 = arith.constant 15 : i32
      %add3A_1069 = arith.addi %mul3A_1067, %add3A_1068 : i32
      %slice3A_1070 = vector.extract_strided_slice %rem3A_110 {offsets = [15], sizes = [1], strides = [1]} : vector<16xi32> to vector<1xi32>
      %squeeze3A_1071 = vector.extract %slice3A_1070[0] : i32 from vector<1xi32>
      %eq3A_1072 = arith.constant 0 : i32
      %eq3A_1073 = arith.cmpi eq, %squeeze3A_1071, %eq3A_1072 : i32
      %get3A_1074 = arith.index_cast %add3A_1069 : i32 to index
      %get3A_1075 = arith.constant 0 : index
      %get3A_1076 = tpu.vector_load %arg9[%get3A_1074, %get3A_1075] {strides = array<i32>} : memref<512x64xf32, #tpu.memory_space<vmem>>, vector<1x16xf32>,
      %get3A_1077 = vector.shape_cast %get3A_1076 : vector<1x16xf32> to vector<16xf32>
      %get3A_1078 = arith.index_cast %add3A_1069 : i32 to index
      %get3A_1079 = arith.constant 0 : index
      %get3A_1080 = tpu.vector_load %arg10[%get3A_1078, %get3A_1079] {strides = array<i32>} : memref<512x64xf32, #tpu.memory_space<vmem>>, vector<1x16xf32>,
      %get3A_1081 = vector.shape_cast %get3A_1080 : vector<1x16xf32> to vector<16xf32>
      %select_n3A_1082 = arith.select %eq3A_1073, %get3A_1077, %get3A_1081 : vector<16xf32>
      %swap3A_1083 = arith.index_cast %add3A_1069 : i32 to index
      %swap3A_1084 = arith.constant 0 : index
      %swap3A_1085 = tpu.vector_load %arg10[%swap3A_1083, %swap3A_1084] {strides = array<i32>} : memref<512x64xf32, #tpu.memory_space<vmem>>, vector<1x16xf32>,
      %swap3A_1086 = vector.shape_cast %swap3A_1085 : vector<1x16xf32> to vector<16xf32>
      %swap3A_1087 = vector.shape_cast %select_n3A_1082 : vector<16xf32> to vector<1x16xf32>
      tpu.vector_store %arg10[%swap3A_1083, %swap3A_1084], %swap3A_1087 {strides = array<i32>} : memref<512x64xf32, #tpu.memory_space<vmem>>, vector<1x16xf32>,
      %get3A_1088 = arith.index_cast %add3A_1069 : i32 to index
      %get3A_1089 = arith.constant 16 : index
      %get3A_1090 = tpu.vector_load %arg9[%get3A_1088, %get3A_1089] {strides = array<i32>} : memref<512x64xf32, #tpu.memory_space<vmem>>, vector<1x16xf32>,
      %get3A_1091 = vector.shape_cast %get3A_1090 : vector<1x16xf32> to vector<16xf32>
      %get3A_1092 = arith.index_cast %add3A_1069 : i32 to index
      %get3A_1093 = arith.constant 16 : index
      %get3A_1094 = tpu.vector_load %arg10[%get3A_1092, %get3A_1093] {strides = array<i32>} : memref<512x64xf32, #tpu.memory_space<vmem>>, vector<1x16xf32>,
      %get3A_1095 = vector.shape_cast %get3A_1094 : vector<1x16xf32> to vector<16xf32>
      %select_n3A_1096 = arith.select %eq3A_1073, %get3A_1091, %get3A_1095 : vector<16xf32>
      %swap3A_1097 = arith.index_cast %add3A_1069 : i32 to index
      %swap3A_1098 = arith.constant 16 : index
      %swap3A_1099 = tpu.vector_load %arg10[%swap3A_1097, %swap3A_1098] {strides = array<i32>} : memref<512x64xf32, #tpu.memory_space<vmem>>, vector<1x16xf32>,
      %swap3A_1100 = vector.shape_cast %swap3A_1099 : vector<1x16xf32> to vector<16xf32>
      %swap3A_1101 = vector.shape_cast %select_n3A_1096 : vector<16xf32> to vector<1x16xf32>
      tpu.vector_store %arg10[%swap3A_1097, %swap3A_1098], %swap3A_1101 {strides = array<i32>} : memref<512x64xf32, #tpu.memory_space<vmem>>, vector<1x16xf32>,
      %get3A_1102 = arith.index_cast %add3A_1069 : i32 to index
      %get3A_1103 = arith.constant 32 : index
      %get3A_1104 = tpu.vector_load %arg9[%get3A_1102, %get3A_1103] {strides = array<i32>} : memref<512x64xf32, #tpu.memory_space<vmem>>, vector<1x16xf32>,
      %get3A_1105 = vector.shape_cast %get3A_1104 : vector<1x16xf32> to vector<16xf32>
      %get3A_1106 = arith.index_cast %add3A_1069 : i32 to index
      %get3A_1107 = arith.constant 32 : index
      %get3A_1108 = tpu.vector_load %arg10[%get3A_1106, %get3A_1107] {strides = array<i32>} : memref<512x64xf32, #tpu.memory_space<vmem>>, vector<1x16xf32>,
      %get3A_1109 = vector.shape_cast %get3A_1108 : vector<1x16xf32> to vector<16xf32>
      %select_n3A_1110 = arith.select %eq3A_1073, %get3A_1105, %get3A_1109 : vector<16xf32>
      %swap3A_1111 = arith.index_cast %add3A_1069 : i32 to index
      %swap3A_1112 = arith.constant 32 : index
      %swap3A_1113 = tpu.vector_load %arg10[%swap3A_1111, %swap3A_1112] {strides = array<i32>} : memref<512x64xf32, #tpu.memory_space<vmem>>, vector<1x16xf32>,
      %swap3A_1114 = vector.shape_cast %swap3A_1113 : vector<1x16xf32> to vector<16xf32>
      %swap3A_1115 = vector.shape_cast %select_n3A_1110 : vector<16xf32> to vector<1x16xf32>
      tpu.vector_store %arg10[%swap3A_1111, %swap3A_1112], %swap3A_1115 {strides = array<i32>} : memref<512x64xf32, #tpu.memory_space<vmem>>, vector<1x16xf32>,
      %get3A_1116 = arith.index_cast %add3A_1069 : i32 to index
      %get3A_1117 = arith.constant 48 : index
      %get3A_1118 = tpu.vector_load %arg9[%get3A_1116, %get3A_1117] {strides = array<i32>} : memref<512x64xf32, #tpu.memory_space<vmem>>, vector<1x16xf32>,
      %get3A_1119 = vector.shape_cast %get3A_1118 : vector<1x16xf32> to vector<16xf32>
      %get3A_1120 = arith.index_cast %add3A_1069 : i32 to index
      %get3A_1121 = arith.constant 48 : index
      %get3A_1122 = tpu.vector_load %arg10[%get3A_1120, %get3A_1121] {strides = array<i32>} : memref<512x64xf32, #tpu.memory_space<vmem>>, vector<1x16xf32>,
      %get3A_1123 = vector.shape_cast %get3A_1122 : vector<1x16xf32> to vector<16xf32>
      %select_n3A_1124 = arith.select %eq3A_1073, %get3A_1119, %get3A_1123 : vector<16xf32>
      %swap3A_1125 = arith.index_cast %add3A_1069 : i32 to index
      %swap3A_1126 = arith.constant 48 : index
      %swap3A_1127 = tpu.vector_load %arg10[%swap3A_1125, %swap3A_1126] {strides = array<i32>} : memref<512x64xf32, #tpu.memory_space<vmem>>, vector<1x16xf32>,
      %swap3A_1128 = vector.shape_cast %swap3A_1127 : vector<1x16xf32> to vector<16xf32>
      %swap3A_1129 = vector.shape_cast %select_n3A_1124 : vector<16xf32> to vector<1x16xf32>
      tpu.vector_store %arg10[%swap3A_1125, %swap3A_1126], %swap3A_1129 {strides = array<i32>} : memref<512x64xf32, #tpu.memory_space<vmem>>, vector<1x16xf32>,
    }
    %scan3A_103 = arith.constant 32 : i32
    "tpu.region"() ({
      %run_scoped3A = tpu.sem_alloc : memref<!tpu.dma_semaphore, #tpu.memory_space<semaphore_mem>>
      %dma_start3A_104 = arith.constant 0 : i32
      %dma_start3A_105 = tpu.memref_slice %arg5[%mul3A_2, %dma_start3A_104] : memref<16384x64xf32, #tpu.memory_space<hbm>> -> memref<512x64xf32, #tpu.memory_space<hbm>>
      %dma_start3A_106 = arith.constant 0 : i32
      %dma_start3A_107 = tpu.memref_slice %arg5[%mul3A_2, %dma_start3A_106] : memref<16384x64xf32, #tpu.memory_space<hbm>> -> memref<512x64xf32, #tpu.memory_space<hbm>>
      tpu.enqueue_dma source(%arg10 : memref<512x64xf32, #tpu.memory_space<vmem>>) target(%dma_start3A_107 : memref<512x64xf32, #tpu.memory_space<hbm>>) target_semaphore(%run_scoped3A : memref<!tpu.dma_semaphore, #tpu.memory_space<semaphore_mem>>)
      %dma_wait3A_108 = arith.constant 0 : i32
      %dma_wait3A_109 = tpu.memref_slice %arg5[%mul3A_2, %dma_wait3A_108] : memref<16384x64xf32, #tpu.memory_space<hbm>> -> memref<512x64xf32, #tpu.memory_space<hbm>>
      %dma_wait3A_110 = arith.constant 0 : i32
      %dma_wait3A_111 = tpu.memref_slice %arg5[%mul3A_2, %dma_wait3A_110] : memref<16384x64xf32, #tpu.memory_space<hbm>> -> memref<512x64xf32, #tpu.memory_space<hbm>>
      tpu.wait_dma2 semaphore(%run_scoped3A : memref<!tpu.dma_semaphore, #tpu.memory_space<semaphore_mem>>) src(%arg10 : memref<512x64xf32, #tpu.memory_space<vmem>>) dst(%dma_wait3A_111 : memref<512x64xf32, #tpu.memory_space<hbm>>)
      tpu.yield
    }) : () -> ()
    return
  }
}

</mosaic_0001>

<sc_bundles>
// kernel: kernel.3.cloned.1.call-start
scs
__scs_entry_jumppad:
0x0: {  	(pc) =	sbr.rel $0x88, $3  }
0x1: {  	(tag) =	ssettag $0x0;
	lr =	simm.s32 $0x1  }
0x2: {  	[smem:$0x3F9E] =	sst lr;
	_ =	strace $0xD0000000  }
0x3: {  	_ = 	snop  }
0x4: {  	_ = 	snop  }
0x5: {  	_ = 	snop  }
0x6: {  	_ = 	snop  }
0x7: {  	_ = 	snop  }
__scs_overlays_trampoline_lowered:
0x8: {  	[smem:$0x3FAD] =	sst s0  }
0x9: {  	[smem:$0x3FAE] =	sst s1  }
0xa: {  	[smem:$0x3FAF] =	sst s2  }
0xb: {  	[smem:$0x3FB0] =	sst s3  }
0xc: {  	[smem:$0x3FB1] =	sst s4  }
0xd: {  	[smem:$0x3FB2] =	sst s5  }
0xe: {  	[smem:$0x3FB3] =	sst s6  }
0xf: {  	[smem:$0x3FB4] =	sst s7  }
0x10: {  	[smem:$0x3FB5] =	sst s8  }
0x11: {  	[smem:$0x3FB6] =	sst s9;
	s0 =	simm.s32 @!p0 $0x0  }
0x12: {  	s1 =	sld [smem:$0x3F9C];
	s0 =	simm.s32 @p0 $0x1  }
0x13: {  	[smem:$0x3FB7] =	sst s0;
	s0 =	simm.s32 @!p1 $0x0  }
0x14: {  	s2 =	sld [smem:$0x3F9B];
	s0 =	simm.s32 @p1 $0x1  }
0x15: {  	[smem:$0x3FB8] =	sst s0;
	s0 =	simm.s32 @!p2 $0x0  }
0x16: {  	s3 =	sld [smem:$0x3FDB];
	s0 =	simm.s32 @p2 $0x1  }
0x17: {  	s4 =	simm.s32 $0x1BF5;
	[smem:$0x3FBA] =	sst s0  }
0x18: {  	s0 =	sld [smem:$0x3F9D];
	_ =	swait.ge [sflag:s4], $0x0  }
0x19: {  	s7 =	sld [smem:$0x3F9E]  }
0x1a: {  	s8 =	sadd.s32 $0xFFFFE003, lr  }
0x1b: {  	s9 =	sadd.s32 $0xFFFFFEF7, lr;
	s5 =	simm.s32 $0xFFFFFFFF;
	p2 =	slt.u32 s8, $0xFFFFF086  }
0x1c: {  	p1 =	slt.u32 s9, $0xF7A;
	s5 =	simm.s32 @!p2 $0x0  }
0x1d: {  	s5 =	simm.s32 @p1 $0x1;
	p0 =	seq.s32 s7, s2  }
0x1e: {  	s7 =	smul.u32 @!p0 $0xF7A, s2;
	p2 =	seq.s32 @!p0 s5, $0x0  }
0x1f: {  	s9 =	smul.u32 $0xF7A, s1;
	s8 =	simm.s32 @!p0 $0x1BF5;
	p2 =	por !p2, p0  }
0x20: {  	[sflag:s8] =	ssyncset.s32 @!p0 $0xFFFFF086;
	s6 =	sadd.s32 @!p0 s3, s7;
	s7 =	simm.s32 @!p0 $0x108  }
0x21: {  	s3 =	sadd.s32 s3, s9;
	s6 =	sadd.s32 @!p0 $0x88, s6;
	s7 =	simm.s32 @p2 $0x1082  }
0x22: {  	[simem:s7], [sflag:s8] =	dma.local @!p0 [hbm:s6], $0xF7A  }
0x23: {  	s9 =	sor.u32 $0xD0000000, s2;
	s6 =	simm.s32 $0x108;
	_ =	swait.ge @!p0 [sflag:s8], $0x0  }
0x24: {  	s3 =	sadd.s32 $0x88, s3;
	s6 =	simm.s32 @!p1 $0x1082;
	[sflag:s4] =	ssyncset.s32 $0xFFFFF086  }
0x25: {  	[simem:s6], [sflag:s4] =	dma.local [hbm:s3], $0xF7A  }
0x26: {  	[smem:$0x3F9E] =	sst s1;
	(tag) =	ssettag s2;
	_ =	strace s9  }
0x27: {  	s1 =	sld [smem:$0x3FAE]  }
0x28: {  	s2 =	sld [smem:$0x3FAF]  }
0x29: {  	s4 =	sld [smem:$0x3FB1]  }
0x2a: {  	p0 =	seq.s32 s5, $0x0;
	s5 =	sld [smem:$0x3FB2]  }
0x2b: {  	s6 =	sld [smem:$0x3FB3]  }
0x2c: {  	s7 =	sld [smem:$0x3FB4]  }
0x2d: {  	s3 =	simm.s32 $0x108;
	s8 =	sld [smem:$0x3FB5]  }
0x2e: {  	s3 =	simm.s32 @!p0 $0x1082;
	s9 =	sld [smem:$0x3FB6]  }
0x2f: {  	lr =	sadd.s32 s0, s3;
	s0 =	sld [smem:$0x3FAD]  }
0x30: {  	s3 =	sld [smem:$0x3FB0]  }
0x31: {  	[smem:$0x3FB9] =	sst s10  }
0x32: {  	s10 =	sld [smem:$0x3FB7];
	_ =	sdelay $0x3  }
0x33: {  	p0 =	seq.s32 s10, $0x1;
	s10 =	sld [smem:$0x3FB9];
	_ =	sdelay $0x3  }
0x34: {  	[smem:$0x3FB9] =	sst s10  }
0x35: {  	s10 =	sld [smem:$0x3FB8];
	_ =	sdelay $0x3  }
0x36: {  	p1 =	seq.s32 s10, $0x1;
	s10 =	sld [smem:$0x3FB9];
	_ =	sdelay $0x3  }
0x37: {  	[smem:$0x3FB9] =	sst s10  }
0x38: {  	s10 =	sld [smem:$0x3FBA]  }
0x39: {  	_ = 	snop;
	(pc) =	sbr.ind lr, $3  }
0x3a: {  	_ = 	snop  }
0x3b: {  	_ = 	snop  }
0x3c: {  	p2 =	seq.s32 s10, $0x1;
	s10 =	sld [smem:$0x3FB9]  }
0x3d: {  	_ =	shalt  }
0x3e: {  	_ =	shalt  }
0x3f: {  	_ =	shalt  }
0x40: {  	_ =	shalt  }
0x41: {  	_ =	shalt  }
0x42: {  	_ =	shalt  }
0x43: {  	_ =	shalt  }
0x44: {  	_ =	shalt  }
0x45: {  	_ =	shalt  }
0x46: {  	_ =	shalt  }
0x47: {  	_ =	shalt  }
0x48: {  	_ =	shalt  }
0x49: {  	_ =	shalt  }
0x4a: {  	_ =	shalt  }
0x4b: {  	_ =	shalt  }
0x4c: {  	_ =	shalt  }
0x4d: {  	_ =	shalt  }
0x4e: {  	_ =	shalt  }
0x4f: {  	_ =	shalt  }
0x50: {  	_ =	shalt  }
0x51: {  	_ =	shalt  }
0x52: {  	_ =	shalt  }
0x53: {  	_ =	shalt  }
0x54: {  	_ =	shalt  }
0x55: {  	_ =	shalt  }
0x56: {  	_ =	shalt  }
0x57: {  	_ =	shalt  }
0x58: {  	_ =	shalt  }
0x59: {  	_ =	shalt  }
0x5a: {  	_ =	shalt  }
0x5b: {  	_ =	shalt  }
0x5c: {  	_ =	shalt  }
0x5d: {  	_ =	shalt  }
0x5e: {  	_ =	shalt  }
0x5f: {  	_ =	shalt  }
0x60: {  	_ =	shalt  }
0x61: {  	_ =	shalt  }
0x62: {  	_ =	shalt  }
0x63: {  	_ =	shalt  }
0x64: {  	_ =	shalt  }
0x65: {  	_ =	shalt  }
0x66: {  	_ =	shalt  }
0x67: {  	_ =	shalt  }
0x68: {  	_ =	shalt  }
0x69: {  	_ =	shalt  }
0x6a: {  	_ =	shalt  }
0x6b: {  	_ =	shalt  }
0x6c: {  	_ =	shalt  }
0x6d: {  	_ =	shalt  }
0x6e: {  	_ =	shalt  }
0x6f: {  	_ =	shalt  }
0x70: {  	_ =	shalt  }
0x71: {  	_ =	shalt  }
0x72: {  	_ =	shalt  }
0x73: {  	_ =	shalt  }
0x74: {  	_ =	shalt  }
0x75: {  	_ =	shalt  }
0x76: {  	_ =	shalt  }
0x77: {  	_ =	shalt  }
0x78: {  	_ =	shalt  }
0x79: {  	_ =	shalt  }
0x7a: {  	_ =	shalt  }
0x7b: {  	_ =	shalt  }
0x7c: {  	_ =	shalt  }
0x7d: {  	_ =	shalt  }
0x7e: {  	_ =	shalt  }
0x7f: {  	_ =	shalt  }
0x80: {  	_ =	shalt  }
0x81: {  	_ =	shalt  }
0x82: {  	_ =	shalt  }
0x83: {  	_ =	shalt  }
0x84: {  	_ =	shalt  }
0x85: {  	_ =	shalt  }
0x86: {  	_ =	shalt  }
0x87: {  	_ =	shalt  }
.Lfunc_end0:
.L_simem_size_0:
called_computation_lowered:
.L_overlay_start_0:
0x88: {  	s2 =	sld [smem:$0x3FD9]  }
0x89: {  	s3 =	sld [smem:$0x3FFE];
	_ =	sdelay $0x1  }
0x8a: {  	s1 =	srdreg.scid  }
0x8b: {  	s0 =	sand.u32 $0x1, s1  }
0x8c: {  	s17 =	sshll.u32 s0, $0xA;
	s2 =	sadd.s32 s3, s2  }
0x8d: {  	s2 =	sadd.s32 s2, s17  }
0x8e: {  	[smem:$0x3FC5] =	sst s2  }
0x8f: {  	_ = 	snop  }
0x90: {  	s2 =	sld [smem:$0x3FC9]  }
0x91: {  	s18 =	sld [smem:$0x3FD0];
	(tm) =	ssettm $0x1  }
0x92: {  	s4 =	sld [smem:$0x3FFB];
	_ =	sdelay $0x3  }
0x93: {  	_ =	strace s4  }
0x94: {  	s4 =	sld [smem:$0x3FFC];
	_ =	sdelay $0x3  }
0x95: {  	_ =	strace s4  }
0x96: {  	s4 =	sld [smem:$0x3FFD];
	_ =	sdelay $0x3  }
0x97: {  	_ =	strace s4  }
0x98: {  	_ =	strace $0x8FFFFFFF  }
0x99: {  	s19 =	sld [smem:$0x3FDB];
	_ =	sdelay $0x1  }
0x9a: {  	s5 =	simm.s32 $_scs_section_size  }
0x9b: {  	s6 =	simm.s32 $_size__tile_overlayer_lowered;
	s7 =	simm.s32 $_tile_overlayer_lowered  }
0x9c: {  	s22 =	simm.s32 $0x1BFF;
	s21 =	sshll.u32 s7, $0x1;
	s4 =	sadd.s32 s5, s19  }
0x9d: {  	s8 =	simm.s32 $0x0;
	s20 =	sshll.u32 s6, $0x1;
	s6 =	sadd.s32 s21, s4  }
0x9e: {  	[timem:s8], [sflag:s22] =	dma.local [hbm:s6], s20  }
0x9f: {  	_ =	swait.ge [sflag:s22], s20  }
0xa0: {  	s5 =	ssub.s32 $0x0, s20;
	[sflag:s22] =	ssyncset.done $0x0  }
0xa1: {  	[sflag:s22] =	ssyncadd.s32 s5;
	_ =	sdelay $0x1  }
0xa2: {  	s23 =	simm.s32 $0x1B8B  }
0xa3: {  	_ =	swait.ge [sflag:s23], $0x1  }
0xa4: {  	[sflag:s23] =	ssyncset.done $0x0  }
0xa5: {  	s25 =	simm.s32 $0x1B8E;
	s24 =	sld [smem:$0x3FFE];
	[sflag:s23] =	ssyncadd.s32 $0xFFFFFFFF  }
0xa6: {  	s26 =	simm.s32 $execute0_lowered;
	[smem:$0x3FD2] =	sst s25  }
0xa7: {  	s6 =	sshll.u32 s26, $0x1;
	_ =	strace $0x80000046;
	[dreg:$0x1] =	wrdreg $0xFFFFFFFF  }
0xa8: {  	s28 =	simm.s32 $_size_execute0_lowered;
	s4 =	sadd.s32 s4, s6;
	[dreg:$0x0] =	wrdreg $0x0  }
0xa9: {  	s6 =	sshll.u32 s28, $0x1;
	[dreg:$0x2] =	wrdreg s4  }
0xaa: {  	[dreg:$0x3] =	wrdreg s6  }
0xab: {  	[dreg:$0x4] =	wrdreg $0xC0  }
0xac: {  	_ =	task [dreg:s8], $0x5FFFF  }
0xad: {  	[dreg:$0x1] =	wrdreg $0xFFFFFFFF  }
0xae: {  	[dreg:$0x0] =	wrdreg $0x60  }
0xaf: {  	[dreg:$0x2] =	wrdreg s2  }
0xb0: {  	[dreg:$0x3] =	wrdreg s24  }
0xb1: {  	[dreg:$0x4] =	wrdreg s18  }
0xb2: {  	[dreg:$0x5] =	wrdreg $0x9  }
0xb3: {  	_ =	task.clear_ibuf [dreg:s8], $0x6FFFF;
	_ =	strace $0x90000046  }
0xb4: {  	s29 =	simm.s32 $0x9;
	_ =	strace $0x80000048  }
0xb5: {  	_ =	swait.ge [sflag:s29], $0x1  }
0xb6: {  	[sflag:s29] =	ssyncadd.s32 $0xFFFFFFFF  }
0xb7: {  	_ =	strace $0x90000048  }
0xb8: {  	_ =	sfence  }
0xb9: {  	s30 =	sld [smem:$0x0];
	_ =	sdelay $0x2  }
0xba: {  	s31 =	sshll.u32 s1, $0xD;
	s1 =	sshrl.u32 s1, $0x2  }
0xbb: {  	s3 =	sand.u32 $0x4000, s31;
	s1 =	sadd.s32 s1, s30  }
0xbc: {  	s0 =	sor.u32 s3, s0;
	s1 =	sshll.u32 s1, $0x11  }
0xbd: {  	s0 =	sor.u32 s1, s0  }
0xbe: {  	s0 =	sadd.s32 $0x8F2B, s0  }
0xbf: {  	[sflag:s0] =	ssyncadd.remote.s32 $0x1  }
0xc0: {  	_ =	sfence.sel $0xFFFF  }
0xc1: {  	[dreg:$0x0] =	wrdreg $0xFFFFFFFF;
	(pc) =	sbr.abs _section_cstart, $3  }
0xc2: {  	[dreg:$0x1] =	wrdreg $0xFFFFFFFF  }
0xc3: {  	_ =	task.clear_ibuf [dreg:s8], $0x2FFFF;
	_ =	strace $0x9FFFFFFF  }
0xc4: {  	(tm) =	ssettm $0x7FFFFFFF  }
0xc5: {  	_ =	shalt  }
tec
execute0_lowered:
.L_overlay_start_1:
0x0: {  	(tag) =	ssettag $0x1  }
0x1: {  	s0 =	rddreg [dreg:$0x0]  }
0x2: {  	s1 =	rddreg [dreg:$0x1]  }
0x3: {  	s2 =	rddreg [dreg:$0x2];
	s6 =	simm.s32 $0x0;
	s3 =	srdreg.scid  }
0x4: {  	s5 =	stileid.u32;
	[smem:$0x7FF] =	sst s6  }
0x5: {  	v0 =	vimm.s32 $0xECA86420;
	s4 =	sadd.s32 $0x400, s1;
	s3 =	sand.u32 $0x1, s3;
	s5 =	sshll.u32 s5, $0xA  }
0x6: {  	vm0 =	vcmask $0xB08;
	vm1 =	vcmask $0x1310;
	s1 =	sadd.s32 $0x6DE200, s1;
	s26 =	ssub.s32 $0x2, s3;
	s3 =	sshll.u32 s3, $0x9  }
0x7: {  	vm2 =	vcmask $0x1B18;
	vm3 =	vcmask $0x300;
	vm4 =	vcmask $0x2320;
	_ =	strace $0x80000047;
	[smem:$0x7F9] =	sst s4;
	s3 =	sor.u32 s3, s5  }
0x8: {  	vm5 =	vcmask $0x2B28;
	vm6 =	vcmask $0x3330;
	vm7 =	vcmask $0x3B38;
	[smem:$0x7FA] =	sst s1;
	s29 =	sshrl.u32 s3, $0x3  }
0x9: {  	v1 =	vlaneseq.u32;
	vm8 =	vmmov $0xff;
	vm9 =	vcmask $0x704;
	s28 =	sshrl.u32 s26, $0x1;
	s3 =	sshll.u32 s3, $0x3;
	s0 =	sadd.s32 s0, s29  }
0xa: {  	vm10 =	vcmask $0xF0C;
	vm11 =	vcmask $0x1714;
	v0 =	vunpack.c.l.s4.s8 v0;
	s1 =	ssub.s32 s26, s28;
	s30 =	sadd.s32 s2, s3;
	[smem:$0x7FB] =	sst s0  }
0xb: {  	vm12 =	vcmask $0x1F1C;
	vm13 =	vcmask $0x2724;
	vm14 =	vcmask $0x2F2C;
	s31 =	smax.u32 s1, $0x1;
	[smem:$0x7FC] =	sst s30  }
0xc: {  	vm15 =	vcmask $0x3734;
	v1 =	vmul.u32 $0x2, v1;
	v0 =	vunpack.c.0.s8.s32 v0;
	s1 =	simm.s32 $0x3;
	s2 =	simm.s32 $0x0;
	[smem:$0x7FD] =	sst s31  }
.LBB2_1:
0xd: {  	s0 =	sld [smem:$0x7FB];
	_ =	sdelay $0x1  }
0xe: {  	[smem:$0x7DD] =	sst s2  }
0xf: {  	[tilespmem:s6], [sflag:$0x3] =	stream.linear.gather [hbm4b:s0+s6], $0x200, $0x38;
	[tilespmem:$0x10600] =	vst v63  }
0x10: {  	_ =	swait.ge [sflag:s1], $0x200  }
0x11: {  	[sflag:s1] =	ssyncset.done $0x0  }
0x12: {  	s16 =	simm.s32 $0x0;
	[sflag:s1] =	ssyncadd.s32 $0xFFFFFE00  }
0x13: {  	v2 =	vld [tilespmem:s16+$0x0];
	_ =	sdelay $0x4  }
0x14: {  	v3 =	vsub.s32 $0x0, v2  }
0x15: {  	v2 =	vmin.u32 v2, v3  }
0x16: {  	(v2sf) =	vpush v2, $0xF  }
0x17: {  	(v2sf) =	vpush v2, $0xB  }
0x18: {  	(v2sf) =	vpush v2, $0x6  }
0x19: {  	(v2sf) =	vpush v2, $0xE  }
0x1a: {  	(v2sf) =	vpush v2, $0xA  }
0x1b: {  	(v2sf) =	vpush v2, $0xD  }
0x1c: {  	(v2sf) =	vpush v2, $0x9  }
0x1d: {  	(v2sf) =	vpush v2, $0x5  }
0x1e: {  	(v2sf) =	vpush v2, $0xC  }
0x1f: {  	(v2sf) =	vpush v2, $0x8  }
0x20: {  	(v2sf) =	vpush v2, $0x4  }
0x21: {  	(v2sf) =	vpush v2, $0x3  }
0x22: {  	(v2sf) =	vpush v2, $0x2  }
0x23: {  	(v2sf) =	vpush v2, $0x1;
	_ =	sdelay $0x1  }
0x24: {  	(v2sf) =	vpush v2, $0x0;
	s8 =	spop (v2sf)  }
0x25: {  	s0 =	spop (v2sf)  }
0x26: {  	s17 =	spop (v2sf)  }
0x27: {  	s6 =	spop (v2sf)  }
0x28: {  	(v2sf) =	vpush v2, $0x7;
	s11 =	spop (v2sf)  }
0x29: {  	[smem:$0x7F8] =	sst s17;
	s17 =	spop (v2sf)  }
0x2a: {  	s19 =	spop (v2sf)  }
0x2b: {  	s5 =	spop (v2sf)  }
0x2c: {  	s12 =	spop (v2sf)  }
0x2d: {  	s15 =	spop (v2sf)  }
0x2e: {  	s1 =	spop (v2sf)  }
0x2f: {  	s9 =	spop (v2sf)  }
0x30: {  	s2 =	spop (v2sf)  }
0x31: {  	s30 =	smulhi.u32 $0x4A90BE59, s17;
	s10 =	spop (v2sf)  }
0x32: {  	s3 =	smulhi.u32 $0x4A90BE59, s10  }
0x33: {  	s18 =	spop (v2sf);
	s29 =	smulhi.u32 $0x14F8B589, s10  }
0x34: {  	s13 =	sshra.s32 s10, $0x1F;
	s4 =	smulhi.u32 $0x4A90BE59, s18  }
0x35: {  	s31 =	smul.u32 $0x4A90BE59, s13  }
0x36: {  	s25 =	smul.u32 $0x14F8B589, s13  }
0x37: {  	s20 =	spop (v2sf);
	s13 =	smulhi.u32 $0x14F8B589, s9  }
0x38: {  	s14 =	sshra.s32 s18, $0x1F;
	s23 =	smulhi.u32 $0x4A90BE59, s20  }
0x39: {  	s26 =	smul.u32 $0x4A90BE59, s14  }
0x3a: {  	s24 =	smulhi.u32 $0x14F8B589, s20  }
0x3b: {  	s21 =	smul.u32 $0x14F8B589, s14  }
0x3c: {  	[smem:$0x7DF] =	sst s3;
	s3 =	smulhi.u32 $0x14F8B589, s18  }
0x3d: {  	s10 =	sshra.s32 s9, $0x1F;
	s18 =	smulhi.u32 $0x4A90BE59, s2  }
0x3e: {  	s16 =	sshra.s32 s20, $0x1F;
	s20 =	smul.u32 $0x4A90BE59, s10  }
0x3f: {  	[smem:$0x7F5] =	sst s8;
	s14 =	smulhi.u32 $0x4A90BE59, s9  }
0x40: {  	[smem:$0x7F6] =	sst s0;
	s9 =	smulhi.u32 $0x4A90BE59, s15  }
0x41: {  	[smem:$0x7F1] =	sst s6;
	s22 =	smul.u32 $0x4A90BE59, s16  }
0x42: {  	[smem:$0x7F2] =	sst s11;
	s7 =	smul.u32 $0x14F8B589, s16  }
0x43: {  	[smem:$0x7DE] =	sst s4;
	s4 =	sshra.s32 s2, $0x1F;
	s2 =	smulhi.u32 $0x14F8B589, s2  }
0x44: {  	[smem:$0x7E8] =	sst s13;
	s13 =	smulhi.u32 $0x4A90BE59, s1  }
0x45: {  	[smem:$0x7EE] =	sst s5;
	s16 =	sshra.s32 s1, $0x1F;
	s1 =	smulhi.u32 $0x14F8B589, s1  }
0x46: {  	[smem:$0x7E1] =	sst s21;
	s21 =	smul.u32 $0x4A90BE59, s4  }
0x47: {  	[smem:$0x7E4] =	sst s29;
	s28 =	smul.u32 $0x4A90BE59, s16  }
0x48: {  	[smem:$0x7E3] =	sst s25;
	s25 =	smul.u32 $0x14F8B589, s16  }
0x49: {  	[smem:$0x7E2] =	sst s3;
	s16 =	smulhi.u32 $0x4A90BE59, s0  }
0x4a: {  	[smem:$0x7E0] =	sst s7;
	s7 =	smul.u32 $0x14F8B589, s4  }
0x4b: {  	s29 =	sshra.s32 s12, $0x1F;
	[smem:$0x7E6] =	sst s2;
	s2 =	smul.u32 $0x14F8B589, s10  }
0x4c: {  	s3 =	smov.u32 s5;
	[smem:$0x7EA] =	sst s1;
	s1 =	smul.u32 $0x14F8B589, s29  }
0x4d: {  	s4 =	smulhi.u32 $0x4A90BE59, s8;
	s3 =	sshra.s32 s3, $0x1F;
	[smem:$0x7E9] =	sst s25  }
0x4e: {  	s10 =	smulhi.u32 $0x4A90BE59, s5;
	[smem:$0x7ED] =	sst s3  }
0x4f: {  	s25 =	smul.u32 $0x4A90BE59, s29;
	[smem:$0x7E5] =	sst s7  }
0x50: {  	s29 =	smulhi.u32 $0x4A90BE59, s6;
	[smem:$0x7E7] =	sst s2  }
0x51: {  	[smem:$0x7EB] =	sst s1;
	s1 =	smov.u32 s8;
	s7 =	smulhi.u32 $0x4A90BE59, s11  }
0x52: {  	s2 =	smov.u32 s6;
	s8 =	smulhi.u32 $0x4A90BE59, s19;
	s5 =	sshra.s32 s1, $0x1F  }
0x53: {  	s6 =	smulhi.u32 $0x4A90BE59, s12;
	s1 =	sshra.s32 s0, $0x1F;
	[smem:$0x7F3] =	sst s5  }
0x54: {  	s2 =	sshra.s32 s2, $0x1F;
	[smem:$0x7F4] =	sst s1;
	s0 =	smul.u32 $0x4A90BE59, s5  }
0x55: {  	s1 =	smul.u32 $0x4A90BE59, s1;
	[smem:$0x7EF] =	sst s2  }
0x56: {  	s2 =	smul.u32 $0x4A90BE59, s2;
	s5 =	sshra.s32 s17, $0x1F;
	s0 =	sadd.s32 s0, s4  }
0x57: {  	[smem:$0x7EC] =	sst s0;
	s0 =	sshra.s32 s11, $0x1F;
	s11 =	smul.u32 $0x4A90BE59, s5  }
0x58: {  	s16 =	sadd.s32 s1, s16;
	s1 =	sshra.s32 s19, $0x1F;
	s4 =	smul.u32 $0x4A90BE59, s0  }
0x59: {  	[smem:$0x7F0] =	sst s0;
	s0 =	smul.u32 $0x4A90BE59, s1;
	s11 =	sadd.s32 s11, s30  }
0x5a: {  	s30 =	sadd.s32 s2, s29;
	s2 =	smul.u32 $0x4A90BE59, s3;
	s29 =	sshra.s32 s15, $0x1F  }
0x5b: {  	s3 =	sadd.s32 s25, s6;
	s4 =	sadd.s32 s4, s7;
	s7 =	smul.u32 $0x4A90BE59, s29  }
0x5c: {  	s25 =	sadd.s32 s2, s10;
	s10 =	smul.u32 $0x14F8B589, s29;
	s29 =	sld [smem:$0x7DF]  }
0x5d: {  	s22 =	sadd.s32 s22, s23;
	s23 =	sld [smem:$0x7DE]  }
0x5e: {  	s8 =	sadd.s32 s0, s8;
	s6 =	sadd.s32 s7, s9;
	s7 =	sld [smem:$0x7F8]  }
0x5f: {  	s0 =	sadd.s32 s21, s18;
	s21 =	sld [smem:$0x7E3];
	s29 =	sadd.s32 s31, s29  }
0x60: {  	s31 =	sadd.s32 s20, s14;
	s14 =	smulhi.u32 $0x14F8B589, s15;
	s15 =	sld [smem:$0x7E1]  }
0x61: {  	s2 =	smulhi.u32 $0x14F8B589, s12;
	s20 =	sld [smem:$0x7E2];
	s12 =	sshra.s32 s7, $0x1F  }
0x62: {  	s28 =	sadd.s32 s28, s13;
	s9 =	smulhi.u32 $0x4A90BE59, s7;
	[smem:$0x7F7] =	sst s12  }
0x63: {  	s13 =	sadd.s32 s26, s23;
	s26 =	smul.u32 $0x4A90BE59, s12;
	s12 =	sld [smem:$0x7E0]  }
0x64: {  	s1 =	smul.u32 $0x14F8B589, s1;
	s7 =	sld [smem:$0x7E5]  }
0x65: {  	s14 =	sadd.s32 s10, s14;
	s26 =	sadd.s32 s26, s9;
	s9 =	smul.u32 $0x14F8B589, s5  }
0x66: {  	s5 =	smulhi.u32 $0x14F8B589, s19;
	s18 =	sadd.s32 s12, s24;
	s24 =	sld [smem:$0x7E4]  }
0x67: {  	s10 =	sshra.s32 s3, $0x11;
	s23 =	sadd.s32 s15, s20;
	s12 =	sld [smem:$0x7E6]  }
0x68: {  	s15 =	sld [smem:$0x7E7];
	s19 =	sshra.s32 s22, $0x1F;
	s1 =	sadd.s32 s1, s5  }
0x69: {  	s5 =	sshra.s32 s13, $0x11;
	s21 =	sadd.s32 s21, s24;
	s24 =	sld [smem:$0x7E8]  }
0x6a: {  	v3 =	vmov s19;
	s20 =	sadd.s32 s7, s12;
	s12 =	smulhi.u32 $0x14F8B589, s17;
	s7 =	sld [smem:$0x7E9]  }
0x6b: {  	v6 =	vmov s10;
	s10 =	sshra.s32 s29, $0x1F;
	s19 =	sshra.s32 s13, $0x1F;
	v3 =	vsel vm3, s5, v3;
	s17 =	sld [smem:$0x7EA]  }
0x6c: {  	s5 =	sshrl.u32 s16, $0x1F;
	v3 =	vsel vm9, s19, v3;
	s19 =	sshrl.u32 s30, $0x1F;
	s12 =	sadd.s32 s9, s12  }
0x6d: {  	s9 =	sshrl.u32 s8, $0x1F;
	s15 =	sadd.s32 s15, s24;
	s24 =	sld [smem:$0x7EB]  }
0x6e: {  	s7 =	sadd.s32 s7, s17;
	s17 =	sshrl.u32 s6, $0x1F;
	s6 =	sshra.s32 s6, $0x11  }
0x6f: {  	v5 =	vmov s17;
	v8 =	vmov s6;
	s6 =	sshrl.u32 s11, $0x1F;
	s11 =	sshra.s32 s11, $0x11;
	s17 =	sshra.s32 s0, $0x11  }
0x70: {  	v5 =	vsel vm0, s9, v5;
	s2 =	sadd.s32 s24, s2;
	s24 =	sshrl.u32 s3, $0x1F;
	s3 =	sshra.s32 s29, $0x11  }
0x71: {  	v6 =	vsel vm0, s11, v6;
	s9 =	sshrl.u32 s29, $0x1F;
	s11 =	sshra.s32 s31, $0x1F;
	v4 =	vmov s24;
	s24 =	sshrl.u32 s13, $0x1F;
	v3 =	vsel vm0, s3, v3  }
0x72: {  	s13 =	sshra.s32 s8, $0x11;
	s3 =	sshrl.u32 s4, $0x1F;
	s8 =	sshra.s32 s30, $0x11;
	v7 =	vmov s24;
	v4 =	vsel vm0, s6, v4;
	v3 =	vsel vm10, s10, v3  }
0x73: {  	s29 =	sshrl.u32 s31, $0x1F;
	s4 =	sshra.s32 s4, $0x11;
	v8 =	vsel vm0, s13, v8;
	v5 =	vsel vm1, s3, v5;
	v6 =	vsel vm1, s8, v6;
	s13 =	sld [smem:$0x7EC]  }
0x74: {  	s30 =	sshra.s32 s18, $0xC;
	s24 =	sshra.s32 s0, $0x1F;
	s10 =	sshra.s32 s31, $0x11;
	v3 =	vsel vm1, s17, v3;
	v4 =	vsel vm1, s19, v4;
	v7 =	vnsel vm3, $0x0, v7  }
0x75: {  	s0 =	sshrl.u32 s0, $0x1F;
	s6 =	sshra.s32 s28, $0x1F;
	s3 =	sshra.s32 s18, $0x1F;
	v8 =	vsel vm1, s4, v8;
	v5 =	vsel vm2, s5, v5;
	v3 =	vsel vm11, s24, v3  }
0x76: {  	s19 =	sshra.s32 s28, $0x11;
	v12 =	vmov s3;
	s3 =	sshrl.u32 s7, $0x1F;
	v7 =	vsel vm0, s9, v7;
	v3 =	vsel vm2, s10, v3;
	s17 =	sshrl.u32 s13, $0x1F  }
0x77: {  	s5 =	sshra.s32 s14, $0xC;
	s24 =	simm.s32 $0x10;
	v7 =	vsel vm1, s0, v7;
	s8 =	sshra.s32 s13, $0x11;
	v3 =	vsel vm12, s11, v3;
	v4 =	vsel vm2, s17, v4  }
0x78: {  	s9 =	sshrl.u32 s28, $0x1F;
	v9 =	vld [tilespmem:s24+$0x0];
	s10 =	sshra.s32 s25, $0x11;
	v7 =	vsel vm2, s29, v7;
	v6 =	vsel vm2, s8, v6;
	s11 =	sshra.s32 s16, $0x11;
	v3 =	vsel vm4, s19, v3  }
0x79: {  	s13 =	sshra.s32 s25, $0x1F;
	s16 =	sshrl.u32 s25, $0x1F;
	v7 =	vsel vm4, s9, v7;
	v8 =	vsel vm2, s11, v8;
	s9 =	sshrl.u32 s23, $0x1F;
	v4 =	vcombine.low v5, v4  }
0x7a: {  	s0 =	sshrl.u32 s20, $0x1F;
	s17 =	sshra.s32 s26, $0x11;
	s19 =	sshrl.u32 s26, $0x1F;
	v3 =	vsel vm13, s6, v3;
	v7 =	vsel vm5, s16, v7;
	v61 =	vmov s9  }
0x7b: {  	s25 =	sshra.s32 s26, $0x1F;
	s29 =	sshra.s32 s22, $0x11;
	s6 =	sshra.s32 s23, $0xC;
	v6 =	vcombine.low v8, v6;
	v3 =	vsel vm5, s10, v3;
	v7 =	vsel vm6, s19, v7  }
0x7c: {  	s8 =	sshra.s32 s23, $0x1F;
	s26 =	sshrl.u32 s22, $0x1F;
	s16 =	sld [smem:$0x7EE];
	v59 =	vsel vm3, s6, v12;
	v4 =	vperm.xlane v4, v0;
	v3 =	vsel vm14, s13, v3  }
0x7d: {  	s22 =	sshrl.u32 s21, $0x1F;
	s23 =	sshra.s32 s20, $0x1F;
	s10 =	sld [smem:$0x7ED];
	v62 =	vnsel vm3, $0x0, v61;
	v10 =	vsub.s32 $0x0, v9;
	v3 =	vsel vm6, s17, v3  }
0x7e: {  	s9 =	sshrl.u32 s15, $0x1F;
	s19 =	sshra.s32 s20, $0xC;
	v7 =	vsel vm7, s26, v7;
	s13 =	sshra.s32 s21, $0xC;
	v11 =	vsel vm15, s25, v3;
	v3 =	vmin.u32 v9, v10  }
0x7f: {  	s26 =	sshra.s32 s15, $0xC;
	v6 =	vperm.xlane v6, v0;
	s17 =	smulhi.u32 $0x14F8B589, s16;
	s16 =	sld [smem:$0x7EF];
	v9 =	vsel vm9, s8, v59;
	(v2sf) =	vpush v3, $0xF  }
0x80: {  	v7 =	vperm.xlane v7, v1;
	s25 =	sshrl.u32 s18, $0x1F;
	s11 =	smul.u32 $0x14F8B589, s10;
	s18 =	sshra.s32 s21, $0x1F;
	v9 =	vsel vm0, s13, v9;
	(v2sf) =	vpush v3, $0xB  }
0x81: {  	s21 =	sshrl.u32 s2, $0x1F;
	s2 =	sshra.s32 s2, $0xC;
	v60 =	vsel vm7, s29, v11;
	s13 =	sld [smem:$0x7F2];
	v9 =	vsel vm10, s18, v9;
	(v2sf) =	vpush v3, $0x6  }
0x82: {  	s8 =	sshra.s32 s12, $0xC;
	s4 =	sadd.s32 s11, s17;
	s17 =	sld [smem:$0x7F0];
	v8 =	vperm.xlane v60, v1;
	v5 =	vsel vm1, s19, v9;
	(v2sf) =	vpush v3, $0xE  }
0x83: {  	s29 =	sshra.s32 s15, $0x1F;
	s15 =	sshrl.u32 s14, $0x1F;
	v4 =	vsel vm8, v7, v4;
	s18 =	sld [smem:$0x7F1];
	v9 =	vsel vm0, s22, v62;
	v5 =	vsel vm11, s23, v5  }
0x84: {  	s10 =	smul.u32 $0x14F8B589, s16;
	s11 =	sshra.s32 s7, $0xC;
	s22 =	sld [smem:$0x7F3];
	v6 =	vsel vm8, v8, v6;
	v7 =	vsel vm1, s0, v9;
	(v2sf) =	vpush v3, $0xA  }
0x85: {  	s20 =	smulhi.u32 $0x14F8B589, s13;
	s23 =	sshrl.u32 s12, $0x1F;
	s0 =	sshra.s32 s1, $0xC;
	v5 =	vsel vm2, s26, v5;
	v4 =	vadd.s32 v4, v6;
	(v2sf) =	vpush v3, $0xD  }
0x86: {  	s13 =	sld [smem:$0x7F5];
	s16 =	smul.u32 $0x14F8B589, s17;
	s17 =	sshra.s32 s7, $0x1F;
	v6 =	vsel vm2, s9, v7;
	v7 =	vmov s21;
	(v2sf) =	vpush v3, $0x9  }
0x87: {  	s19 =	smulhi.u32 $0x14F8B589, s18;
	s26 =	sld [smem:$0x7F4];
	s7 =	sshrl.u32 s1, $0x1F;
	v5 =	vsel vm12, s29, v5;
	v6 =	vsel vm4, s3, v6;
	(v2sf) =	vpush v3, $0x5  }
0x88: {  	s6 =	smul.u32 $0x14F8B589, s22;
	s3 =	sshrl.u32 s4, $0x1F;
	v7 =	vsel vm0, s23, v7;
	s23 =	sld [smem:$0x7F7];
	v5 =	vsel vm4, s11, v5;
	(v2sf) =	vpush v3, $0xC  }
0x89: {  	s1 =	smulhi.u32 $0x14F8B589, s13;
	s13 =	sshra.s32 s4, $0xC;
	v5 =	vsel vm13, s17, v5;
	s17 =	sld [smem:$0x7F6]  }
0x8a: {  	s14 =	sadd.s32 s10, s19;
	s11 =	sld [smem:$0x7F8];
	s29 =	smul.u32 $0x14F8B589, s26  }
0x8b: {  	v4 =	vmul.u32 $0x6DDD0, v4;
	s10 =	sshra.s32 s4, $0x1F;
	s19 =	sadd.s32 s16, s20;
	s26 =	smul.u32 $0x14F8B589, s23  }
0x8c: {  	s20 =	sshrl.u32 s14, $0x1F;
	s21 =	sshrl.u32 s19, $0x1F;
	s18 =	smulhi.u32 $0x14F8B589, s17  }
0x8d: {  	v8 =	vmov s15;
	v6 =	vsel vm5, s3, v6;
	v63 =	vsub.s32 v2, v4;
	s9 =	sshra.s32 s14, $0xC;
	s1 =	sadd.s32 s6, s1;
	s14 =	smulhi.u32 $0x14F8B589, s11  }
0x8e: {  	v4 =	vsel vm0, s7, v8;
	v8 =	vmov s2;
	v7 =	vsel vm1, s20, v7;
	s22 =	sadd.s32 s29, s18;
	s29 =	sshrl.u32 s1, $0x1F;
	s18 =	spop (v2sf)  }
0x8f: {  	v4 =	vsel vm1, s21, v4;
	v8 =	vsel vm0, s8, v8;
	v5 =	vsel vm5, s13, v5;
	s12 =	sshrl.u32 s22, $0x1F;
	s28 =	smulhi.u32 $0x4A90BE59, s18;
	s23 =	spop (v2sf)  }
0x90: {  	(v2sf) =	vpush v3, $0x8;
	s16 =	sadd.s32 s26, s14;
	v7 =	vsel vm2, s29, v7;
	v4 =	vsel vm2, s12, v4;
	s8 =	smulhi.u32 $0x4A90BE59, s23;
	s26 =	spop (v2sf)  }
0x91: {  	s4 =	sshra.s32 s19, $0xC;
	v8 =	vsel vm1, s9, v8;
	v4 =	vcombine.low v4, v7;
	v7 =	vmov s5;
	s17 =	smulhi.u32 $0x4A90BE59, s26;
	s12 =	spop (v2sf)  }
0x92: {  	s19 =	sshra.s32 s1, $0xC;
	v5 =	vsel vm14, s10, v5;
	s21 =	sshra.s32 s16, $0xC;
	(v2sf) =	vpush v3, $0x4;
	v7 =	vsel vm0, s0, v7;
	s31 =	smulhi.u32 $0x4A90BE59, s12  }
0x93: {  	v8 =	vsel vm2, s19, v8;
	s20 =	sshra.s32 s22, $0xC;
	(v2sf) =	vpush v3, $0x3;
	v7 =	vsel vm1, s4, v7;
	s4 =	spop (v2sf);
	[dreg:$0x5] =	wrdreg s17  }
0x94: {  	s22 =	sshrl.u32 s16, $0x1F;
	v5 =	vsel vm6, s21, v5;
	(v2sf) =	vpush v3, $0x2;
	v7 =	vsel vm2, s20, v7;
	s14 =	smulhi.u32 $0x4A90BE59, s4;
	s13 =	spop (v2sf)  }
0x95: {  	s10 =	simm.s32 $0x0;
	v6 =	vsel vm6, s22, v6;
	(v2sf) =	vpush v3, $0x1;
	v8 =	vcombine.low v7, v8;
	s15 =	smulhi.u32 $0x4A90BE59, s13;
	s17 =	spop (v2sf)  }
0x96: {  	s29 =	sshra.s32 s16, $0x1F;
	v6 =	vsel vm7, s25, v6;
	v4 =	vperm.xlane v4, v0;
	(v2sf) =	vpush v3, $0x0;
	s6 =	smulhi.u32 $0x4A90BE59, s17;
	s19 =	spop (v2sf)  }
0x97: {  	s2 =	simm.s32 $0x80;
	[tilespmem:s10+$0x400] =	vst v63;
	v7 =	vsel vm15, s29, v5;
	(v2sf) =	vpush v3, $0x7;
	v5 =	vperm.xlane v8, v0;
	s21 =	smulhi.u32 $0x4A90BE59, s19;
	s5 =	spop (v2sf)  }
.LBB2_2:
0x98: {  	[dreg:$0x15] =	wrdreg s17  }
0x99: {  	[dreg:$0x13] =	wrdreg s19  }
0x9a: {  	[dreg:$0x11] =	wrdreg s12;
	v7 =	vsel vm7, s30, v7  }
0x9b: {  	[dreg:$0x10] =	wrdreg s13;
	v6 =	vperm.xlane v6, v1;
	v7 =	vperm.xlane v7, v1  }
0x9c: {  	[dreg:$0xe] =	wrdreg s4  }
0x9d: {  	[dreg:$0xc] =	wrdreg s23;
	v4 =	vsel vm8, v6, v4;
	v5 =	vsel vm8, v7, v5  }
0x9e: {  	[dreg:$0x7] =	wrdreg s26;
	v4 =	vadd.s32 v4, v5  }
0x9f: {  	[dreg:$0x6] =	wrdreg s18;
	s0 =	smulhi.u32 $0x4A90BE59, s5;
	v4 =	vmul.u32 $0xC350, v4  }
0xa0: {  	[dreg:$0x4] =	wrdreg s2  }
0xa1: {  	p0 =	sne.s32 s2, $0x7C0;
	[smem:$0x7D6] =	sst s0;
	v4 =	vsub.s32 v2, v4;
	s3 =	spop (v2sf)  }
0xa2: {  	[tilespmem:s10+$0x200] =	vst v4;
	s10 =	sshra.s32 s4, $0x1F;
	s2 =	smulhi.u32 $0x4A90BE59, s3;
	[dreg:$0x17] =	wrdreg s3  }
0xa3: {  	s30 =	spop (v2sf);
	[dreg:$0xd] =	wrdreg s10  }
0xa4: {  	s7 =	smulhi.u32 $0x4A90BE59, s30;
	[dreg:$0x1b] =	wrdreg s30  }
0xa5: {  	s16 =	smov.u32 s6;
	s1 =	spop (v2sf);
	[smem:$0x7D7] =	sst s2  }
0xa6: {  	s6 =	smov.u32 s14;
	s9 =	smulhi.u32 $0x4A90BE59, s1;
	s11 =	spop (v2sf)  }
0xa7: {  	s2 =	sshra.s32 s18, $0x1F;
	[smem:$0x7D8] =	sst s7;
	s20 =	smulhi.u32 $0x4A90BE59, s11  }
0xa8: {  	s14 =	smov.u32 s11;
	s29 =	spop (v2sf);
	[dreg:$0xa] =	wrdreg s2  }
0xa9: {  	s11 =	sshra.s32 s23, $0x1F;
	s7 =	smov.u32 s31;
	[smem:$0x7DB] =	sst s9  }
0xaa: {  	s31 =	smul.u32 $0x4A90BE59, s2;
	s23 =	smov.u32 s24;
	[dreg:$0x1f] =	wrdreg s14  }
0xab: {  	s24 =	sshra.s32 s26, $0x1F;
	s26 =	sshra.s32 s12, $0x1F;
	[dreg:$0x9] =	wrdreg s11  }
0xac: {  	s2 =	smul.u32 $0x4A90BE59, s10;
	s12 =	sshra.s32 s17, $0x1F;
	[dreg:$0xb] =	wrdreg s23  }
0xad: {  	s17 =	sshra.s32 s19, $0x1F;
	s22 =	smulhi.u32 $0x4A90BE59, s29;
	[dreg:$0x8] =	wrdreg s24  }
0xae: {  	s9 =	smov.u32 s8;
	s25 =	spop (v2sf);
	[dreg:$0xf] =	wrdreg s26  }
0xaf: {  	s8 =	smov.u32 s1;
	s1 =	smul.u32 $0x4A90BE59, s24;
	[dreg:$0x14] =	wrdreg s12  }
0xb0: {  	s24 =	smul.u32 $0x4A90BE59, s26;
	[dreg:$0x12] =	wrdreg s17  }
0xb1: {  	s0 =	smov.u32 s21;
	s26 =	smul.u32 $0x4A90BE59, s17;
	[dreg:$0x1d] =	wrdreg s8  }
0xb2: {  	[smem:$0x7D9] =	sst s20;
	s20 =	smov.u32 s5;
	s5 =	smulhi.u32 $0x4A90BE59, s25  }
0xb3: {  	s21 =	smov.u32 s25;
	s25 =	smul.u32 $0x4A90BE59, s11;
	s11 =	sshra.s32 s13, $0x1F  }
0xb4: {  	[smem:$0x7DA] =	sst s22;
	s13 =	smul.u32 $0x4A90BE59, s11  }
0xb5: {  	s8 =	sshra.s32 s8, $0x1F;
	[dreg:$0x16] =	wrdreg s11;
	s11 =	smul.u32 $0x4A90BE59, s12  }
0xb6: {  	s23 =	sshra.s32 s30, $0x1F;
	s22 =	spop (v2sf);
	s30 =	smul.u32 $0x4A90BE59, s8  }
0xb7: {  	[dreg:$0x1c] =	wrdreg s23;
	s19 =	sshra.s32 s20, $0x1F;
	s18 =	smulhi.u32 $0x4A90BE59, s22  }
0xb8: {  	[dreg:$0x18] =	wrdreg s20;
	s20 =	sshra.s32 s3, $0x1F;
	s4 =	smul.u32 $0x4A90BE59, s19  }
0xb9: {  	s14 =	sshra.s32 s14, $0x1F;
	[smem:$0x7DC] =	sst s1;
	s3 =	smul.u32 $0x4A90BE59, s20  }
0xba: {  	s28 =	sadd.s32 s31, s28;
	[dreg:$0x19] =	wrdreg s20;
	s20 =	smul.u32 $0x4A90BE59, s23  }
0xbb: {  	[dreg:$0x1e] =	wrdreg s8;
	s1 =	sshra.s32 s29, $0x1F;
	s23 =	smul.u32 $0x4A90BE59, s14  }
0xbc: {  	s31 =	sadd.s32 s2, s6;
	[dreg:$0x1a] =	wrdreg s19;
	s17 =	smul.u32 $0x4A90BE59, s1  }
0xbd: {  	s19 =	sshra.s32 s21, $0x1F;
	s12 =	sshra.s32 s22, $0x1F;
	s21 =	smulhi.u32 $0x14F8B589, s21  }
0xbe: {  	s8 =	sadd.s32 s25, s9;
	s9 =	sld [smem:$0x7D6];
	s10 =	smul.u32 $0x4A90BE59, s19  }
0xbf: {  	s25 =	smul.u32 $0x4A90BE59, s12;
	s13 =	sadd.s32 s13, s15;
	s15 =	sld [smem:$0x7D7]  }
0xc0: {  	s11 =	sadd.s32 s11, s16;
	s16 =	sld [smem:$0x7D8];
	s12 =	smul.u32 $0x14F8B589, s12  }
0xc1: {  	s24 =	sadd.s32 s24, s7;
	s19 =	smul.u32 $0x14F8B589, s19;
	s2 =	sadd.s32 s4, s9  }
0xc2: {  	s4 =	sadd.s32 s26, s0;
	s0 =	sadd.s32 s25, s18;
	s10 =	sadd.s32 s10, s5  }
0xc3: {  	s26 =	sld [smem:$0x7DA];
	s3 =	sadd.s32 s3, s15;
	s6 =	sadd.s32 s20, s16  }
0xc4: {  	s20 =	sld [smem:$0x7D9];
	s25 =	sshrl.u32 s2, $0x1F;
	s9 =	sshra.s32 s10, $0x11  }
0xc5: {  	s2 =	sshra.s32 s2, $0x11;
	s18 =	sshra.s32 s10, $0x1F;
	s10 =	sshrl.u32 s10, $0x1F  }
0xc6: {  	s15 =	sshra.s32 s11, $0x11;
	v4 =	vmov s25;
	s16 =	sshrl.u32 s3, $0x1F;
	s25 =	sshrl.u32 s13, $0x1F  }
0xc7: {  	v6 =	vmov s2;
	v7 =	vmov s10;
	s10 =	sshra.s32 s13, $0x11;
	s2 =	sadd.s32 s19, s21;
	s21 =	rddreg [dreg:$0x19]  }
0xc8: {  	s5 =	sadd.s32 s17, s26;
	s26 =	sshrl.u32 s11, $0x1F;
	s17 =	sshrl.u32 s24, $0x1F  }
0xc9: {  	v4 =	vsel vm0, s25, v4;
	s25 =	sshra.s32 s24, $0x11;
	s7 =	sadd.s32 s23, s20;
	s23 =	sshra.s32 s0, $0x1F  }
0xca: {  	v2 =	vmov v3;
	v6 =	vsel vm0, s10, v6;
	s11 =	sshrl.u32 s28, $0x1F;
	s24 =	sshra.s32 s8, $0x11;
	s20 =	sshra.s32 s3, $0x11;
	v3 =	vmov s23  }
0xcb: {  	v5 =	vmov s16;
	v6 =	vsel vm1, s25, v6;
	s25 =	sshra.s32 s4, $0x11;
	s23 =	sshra.s32 s5, $0x11;
	s16 =	sshra.s32 s7, $0x11;
	v3 =	vsel vm3, s9, v3  }
0xcc: {  	v4 =	vsel vm1, s17, v4;
	v8 =	vmov s20;
	s20 =	sshra.s32 s7, $0x1F;
	s17 =	sshrl.u32 s7, $0x1F;
	v3 =	vsel vm9, s18, v3;
	s18 =	sld [smem:$0x7DB]  }
0xcd: {  	v4 =	vsel vm2, s11, v4;
	s11 =	sshra.s32 s4, $0x1F;
	s7 =	rddreg [dreg:$0x1e];
	s9 =	sshra.s32 s5, $0x1F  }
0xce: {  	v8 =	vsel vm0, s15, v8;
	s5 =	sshrl.u32 s5, $0x1F;
	s15 =	sshrl.u32 s8, $0x1F;
	s8 =	rddreg [dreg:$0x5];
	v3 =	vsel vm0, s23, v3  }
0xcf: {  	s23 =	sshrl.u32 s31, $0x1F;
	v3 =	vsel vm10, s9, v3;
	s9 =	sshra.s32 s31, $0x11;
	s13 =	sadd.s32 s30, s18  }
0xd0: {  	v7 =	vnsel vm3, $0x0, v7;
	v3 =	vsel vm1, s16, v3;
	v8 =	vsel vm1, s9, v8;
	s16 =	sshra.s32 s6, $0x11;
	s18 =	sshra.s32 s28, $0x11;
	s9 =	sld [smem:$0x7DC]  }
0xd1: {  	v5 =	vsel vm0, s26, v5;
	v7 =	vsel vm0, s5, v7;
	v3 =	vsel vm11, s20, v3;
	s26 =	sshra.s32 s13, $0x11;
	s10 =	sshra.s32 s13, $0x1F;
	s20 =	sshra.s32 s6, $0x1F  }
0xd2: {  	v5 =	vsel vm1, s23, v5;
	s23 =	sshrl.u32 s13, $0x1F;
	v8 =	vsel vm2, s24, v8;
	s13 =	sshrl.u32 s4, $0x1F;
	s24 =	smulhi.u32 $0x14F8B589, s29;
	v3 =	vsel vm2, s26, v3  }
0xd3: {  	v7 =	vsel vm1, s17, v7;
	s29 =	sshra.s32 s2, $0x1F;
	s26 =	sshrl.u32 s6, $0x1F;
	v3 =	vsel vm12, s10, v3;
	s6 =	sadd.s32 s9, s8  }
0xd4: {  	v5 =	vsel vm2, s15, v5;
	v7 =	vsel vm2, s23, v7;
	s10 =	rddreg [dreg:$0xb];
	v3 =	vsel vm4, s16, v3;
	s15 =	sshra.s32 s6, $0x11;
	s16 =	smulhi.u32 $0x14F8B589, s22  }
0xd5: {  	v6 =	vsel vm2, s18, v6;
	v4 =	vcombine.low v5, v4;
	v5 =	vsel vm4, s26, v7;
	s17 =	sshrl.u32 s6, $0x1F;
	s18 =	sshra.s32 s6, $0x1F;
	s6 =	rddreg [dreg:$0x1f]  }
0xd6: {  	s26 =	sshra.s32 s2, $0xC;
	v5 =	vsel vm5, s13, v5;
	s22 =	smul.u32 $0x14F8B589, s1;
	s13 =	rddreg [dreg:$0x1d]  }
0xd7: {  	v3 =	vsel vm13, s20, v3;
	v5 =	vsel vm6, s17, v5;
	s20 =	sshrl.u32 s0, $0x1F;
	s3 =	smulhi.u32 $0x14F8B589, s6;
	s17 =	rddreg [dreg:$0x1b]  }
0xd8: {  	v3 =	vsel vm5, s25, v3;
	s4 =	sadd.s32 s12, s16;
	s25 =	smul.u32 $0x14F8B589, s14;
	s12 =	rddreg [dreg:$0x4]  }
0xd9: {  	s14 =	rddreg [dreg:$0x1c];
	v3 =	vsel vm14, s11, v3;
	s9 =	sshrl.u32 s4, $0x1F;
	s23 =	sshra.s32 s4, $0x1F  }
0xda: {  	v6 =	vcombine.low v8, v6;
	v5 =	vsel vm7, s20, v5;
	s30 =	sshra.s32 s4, $0xC;
	s4 =	smul.u32 $0x14F8B589, s14;
	s14 =	rddreg [dreg:$0x15];
	v3 =	vsel vm6, s15, v3  }
0xdb: {  	v4 =	vperm.xlane v4, v0;
	s0 =	sshra.s32 s0, $0x11;
	v5 =	vperm.xlane v5, v1;
	s1 =	sadd.s32 s25, s3;
	s25 =	rddreg [dreg:$0x17];
	v3 =	vsel vm15, s18, v3  }
0xdc: {  	s2 =	sshrl.u32 s2, $0x1F;
	v6 =	vperm.xlane v6, v0;
	v7 =	vmov s23;
	s3 =	smulhi.u32 $0x14F8B589, s13;
	s18 =	rddreg [dreg:$0x1a];
	v3 =	vsel vm7, s0, v3  }
0xdd: {  	v4 =	vsel vm8, v5, v4;
	v5 =	vsel vm3, s26, v7;
	s15 =	sshra.s32 s1, $0xC;
	s16 =	sshra.s32 s1, $0x1F;
	s26 =	rddreg [dreg:$0x16];
	v3 =	vperm.xlane v3, v1  }
0xde: {  	s1 =	sshrl.u32 s1, $0x1F;
	s6 =	smulhi.u32 $0x14F8B589, s25;
	s25 =	rddreg [dreg:$0xa]  }
0xdf: {  	s0 =	sadd.s32 s22, s24;
	s24 =	sshra.s32 s12, $0x2;
	s22 =	rddreg [dreg:$0x18];
	v3 =	vsel vm8, v3, v6  }
0xe0: {  	v5 =	vsel vm9, s29, v5;
	s5 =	smul.u32 $0x14F8B589, s18;
	s12 =	rddreg [dreg:$0x10];
	s8 =	sshra.s32 s0, $0xC;
	v3 =	vadd.s32 v4, v3  }
0xe1: {  	s18 =	rddreg [dreg:$0xf];
	s11 =	sshra.s32 s0, $0x1F;
	v5 =	vsel vm0, s8, v5;
	v6 =	vld [tilespmem:s24+$0x0];
	v4 =	vmov s2;
	s2 =	smul.u32 $0x14F8B589, s7;
	v3 =	vmul.u32 $0x6DDD0, v3  }
0xe2: {  	s0 =	sshrl.u32 s0, $0x1F;
	v5 =	vsel vm10, s11, v5;
	s11 =	rddreg [dreg:$0x12];
	s7 =	smul.u32 $0x14F8B589, s21  }
0xe3: {  	v5 =	vsel vm1, s15, v5;
	s21 =	rddreg [dreg:$0xe];
	v4 =	vnsel vm3, $0x0, v4;
	s2 =	sadd.s32 s2, s3;
	s3 =	smulhi.u32 $0x14F8B589, s17;
	v3 =	vsub.s32 v2, v3  }
0xe4: {  	s7 =	sadd.s32 s7, s6;
	s6 =	smulhi.u32 $0x14F8B589, s12;
	s19 =	sshra.s32 s2, $0xC;
	[tilespmem:s10+$0x400] =	vst v3;
	v3 =	vsel vm0, s0, v4;
	v4 =	vsel vm11, s16, v5  }
0xe5: {  	s12 =	rddreg [dreg:$0x6];
	s20 =	sshra.s32 s2, $0x1F;
	s3 =	sadd.s32 s4, s3;
	v4 =	vsel vm2, s19, v4  }
0xe6: {  	s2 =	sshrl.u32 s2, $0x1F;
	s8 =	sshrl.u32 s7, $0x1F;
	v5 =	vsel vm1, s1, v3;
	s23 =	sshra.s32 s3, $0xC;
	v3 =	vsel vm12, s20, v4;
	v4 =	vsub.s32 $0x0, v6  }
0xe7: {  	s13 =	sshra.s32 s7, $0xC;
	s0 =	smulhi.u32 $0x14F8B589, s22;
	s16 =	rddreg [dreg:$0x13];
	v7 =	vsel vm4, s23, v3;
	v3 =	vmin.u32 v6, v4  }
0xe8: {  	s4 =	sshra.s32 s3, $0x1F;
	s3 =	sshrl.u32 s3, $0x1F;
	s1 =	smul.u32 $0x14F8B589, s26;
	(v2sf) =	vpush v3, $0xF  }
0xe9: {  	s19 =	rddreg [dreg:$0xd];
	s0 =	sadd.s32 s5, s0;
	v4 =	vsel vm2, s2, v5;
	s2 =	smulhi.u32 $0x14F8B589, s14;
	(v2sf) =	vpush v3, $0xB  }
0xea: {  	s5 =	rddreg [dreg:$0x14];
	s15 =	sadd.s32 s1, s6;
	s1 =	smulhi.u32 $0x14F8B589, s16;
	(v2sf) =	vpush v3, $0x6  }
0xeb: {  	s20 =	rddreg [dreg:$0x11];
	s29 =	sshrl.u32 s0, $0x1F;
	s6 =	smul.u32 $0x14F8B589, s18;
	(v2sf) =	vpush v3, $0xE  }
0xec: {  	s0 =	sshra.s32 s0, $0xC;
	s14 =	rddreg [dreg:$0xc];
	v5 =	vsel vm13, s4, v7;
	s4 =	smul.u32 $0x14F8B589, s5;
	(v2sf) =	vpush v3, $0xA  }
0xed: {  	s16 =	rddreg [dreg:$0x7];
	v4 =	vsel vm4, s3, v4;
	s3 =	smul.u32 $0x14F8B589, s11;
	s17 =	sshrl.u32 s15, $0x1F  }
0xee: {  	v7 =	vmov s8;
	s5 =	smul.u32 $0x14F8B589, s19;
	s8 =	rddreg [dreg:$0x8];
	s2 =	sadd.s32 s4, s2;
	(v2sf) =	vpush v3, $0xD  }
0xef: {  	s1 =	sadd.s32 s3, s1;
	s3 =	smulhi.u32 $0x14F8B589, s20;
	s4 =	sshrl.u32 s2, $0x1F;
	(v2sf) =	vpush v3, $0x9  }
0xf0: {  	s22 =	sshra.s32 s1, $0xC;
	s23 =	sshra.s32 s1, $0x1F;
	v7 =	vsel vm0, s4, v7;
	s4 =	smulhi.u32 $0x14F8B589, s21;
	(v2sf) =	vpush v3, $0x5  }
0xf1: {  	s1 =	sshrl.u32 s1, $0x1F;
	s3 =	sadd.s32 s6, s3;
	s6 =	smul.u32 $0x14F8B589, s25;
	(v2sf) =	vpush v3, $0xC  }
0xf2: {  	v9 =	vmov s13;
	v8 =	vmov s0;
	s0 =	sshra.s32 s15, $0xC;
	s2 =	sshra.s32 s2, $0xC;
	v10 =	vsel vm5, s1, v4;
	s1 =	smul.u32 $0x14F8B589, s8  }
0xf3: {  	v6 =	vmov s29;
	s29 =	rddreg [dreg:$0x9];
	v9 =	vsel vm0, s2, v9;
	s2 =	smulhi.u32 $0x14F8B589, s14;
	s26 =	sshrl.u32 s3, $0x1F  }
0xf4: {  	s11 =	sshra.s32 s3, $0xC;
	s3 =	smulhi.u32 $0x14F8B589, s12;
	s4 =	sadd.s32 s5, s4  }
0xf5: {  	s5 =	smul.u32 $0x14F8B589, s29;
	s29 =	rddreg [dreg:$0x4];
	s7 =	sshrl.u32 s4, $0x1F  }
0xf6: {  	s13 =	sshra.s32 s4, $0xC;
	s15 =	sadd.s32 s6, s3;
	s3 =	smulhi.u32 $0x14F8B589, s16  }
0xf7: {  	v6 =	vsel vm0, s17, v6;
	v5 =	vsel vm5, s22, v5;
	s17 =	sshrl.u32 s15, $0x1F;
	s2 =	sadd.s32 s5, s2;
	s18 =	spop (v2sf)  }
0xf8: {  	v8 =	vsel vm0, s0, v8;
	v5 =	vsel vm14, s23, v5;
	s0 =	sshra.s32 s15, $0xC;
	s28 =	smulhi.u32 $0x4A90BE59, s18;
	s23 =	spop (v2sf)  }
0xf9: {  	v4 =	vsel vm1, s26, v6;
	v6 =	vsel vm1, s7, v7;
	s1 =	sadd.s32 s1, s3;
	s8 =	smulhi.u32 $0x4A90BE59, s23;
	s26 =	spop (v2sf)  }
0xfa: {  	v7 =	vsel vm1, s11, v8;
	v8 =	vsel vm1, s13, v9;
	(v2sf) =	vpush v3, $0x8;
	s19 =	sshrl.u32 s2, $0x1F;
	s20 =	smulhi.u32 $0x4A90BE59, s26;
	s12 =	spop (v2sf)  }
0xfb: {  	v4 =	vsel vm2, s17, v4;
	s21 =	sshra.s32 s2, $0xC;
	(v2sf) =	vpush v3, $0x4;
	v6 =	vsel vm2, s19, v6;
	s31 =	smulhi.u32 $0x4A90BE59, s12;
	s4 =	spop (v2sf)  }
.Ltmp0:
0xfc: {  	s22 =	sshra.s32 s1, $0xC;
	(v2sf) =	vpush v3, $0x3;
	v4 =	vcombine.low v6, v4;
	v6 =	vsel vm2, s0, v7;
	[dreg:$0x5] =	wrdreg s20;
	(pc) =	sbr.rel @p0 .LBB2_2-.Ltmp0, $4  }
0xfd: {  	s25 =	sshrl.u32 s1, $0x1F;
	v7 =	vsel vm2, s21, v8;
	v8 =	vsel vm6, s22, v5;
	(v2sf) =	vpush v3, $0x2;
	s14 =	smulhi.u32 $0x4A90BE59, s4;
	s13 =	spop (v2sf)  }
0xfe: {  	v5 =	vsel vm6, s25, v10;
	v7 =	vcombine.low v7, v6;
	(v2sf) =	vpush v3, $0x1;
	s15 =	smulhi.u32 $0x4A90BE59, s13;
	s17 =	spop (v2sf)  }
0xff: {  	s1 =	sshra.s32 s1, $0x1F;
	v6 =	vsel vm7, s9, v5;
	v4 =	vperm.xlane v4, v0;
	(v2sf) =	vpush v3, $0x0;
	s6 =	smulhi.u32 $0x4A90BE59, s17;
	s19 =	spop (v2sf)  }
0x100: {  	s2 =	sadd.s32 $0x40, s29;
	v5 =	vperm.xlane v7, v0;
	v7 =	vsel vm15, s1, v8;
	(v2sf) =	vpush v3, $0x7;
	s21 =	smulhi.u32 $0x4A90BE59, s19;
	s5 =	spop (v2sf)  }
0x101: {  	_ =	sdelay $0x7  }
0x102: {  	s29 =	smov.u32 s12;
	s12 =	spop (v2sf)  }
0x103: {  	s7 =	smov.u32 s4;
	s4 =	spop (v2sf)  }
0x104: {  	s10 =	spop (v2sf)  }
0x105: {  	s11 =	spop (v2sf)  }
0x106: {  	[smem:$0x7D5] =	sst s24;
	s2 =	spop (v2sf)  }
0x107: {  	s24 =	smulhi.u32 $0x14F8B589, s11;
	s9 =	spop (v2sf)  }
0x108: {  	s3 =	spop (v2sf)  }
0x109: {  	[smem:$0x7C3] =	sst s24;
	s24 =	smov.u32 s17;
	s17 =	smulhi.u32 $0x14F8B589, s4  }
0x10a: {  	s16 =	smulhi.u32 $0x4A90BE59, s3  }
0x10b: {  	[dreg:$0x7] =	wrdreg s26;
	s22 =	sshra.s32 s9, $0x1F;
	s20 =	smulhi.u32 $0x14F8B589, s3  }
0x10c: {  	[dreg:$0x6] =	wrdreg s18;
	s25 =	smul.u32 $0x4A90BE59, s22  }
0x10d: {  	[dreg:$0xc] =	wrdreg s23;
	s1 =	sshra.s32 s3, $0x1F;
	s3 =	smulhi.u32 $0x4A90BE59, s9  }
0x10e: {  	s26 =	sshra.s32 s26, $0x1F;
	[dreg:$0xe] =	wrdreg s7;
	s0 =	smul.u32 $0x4A90BE59, s1  }
0x10f: {  	[smem:$0x7D3] =	sst s26;
	s1 =	smul.u32 $0x14F8B589, s1  }
0x110: {  	[smem:$0x7B3] =	sst s16;
	s16 =	smulhi.u32 $0x14F8B589, s9  }
0x111: {  	[smem:$0x7B5] =	sst s3;
	s3 =	smulhi.u32 $0x4A90BE59, s2  }
0x112: {  	[smem:$0x7BD] =	sst s20;
	s9 =	smulhi.u32 $0x14F8B589, s2  }
0x113: {  	s20 =	sshra.s32 s2, $0x1F;
	[smem:$0x7B2] =	sst s0;
	s0 =	smul.u32 $0x14F8B589, s22  }
0x114: {  	[smem:$0x7BC] =	sst s1;
	s22 =	smul.u32 $0x4A90BE59, s20  }
0x115: {  	s1 =	smul.u32 $0x14F8B589, s20;
	[smem:$0x7BF] =	sst s16  }
0x116: {  	[smem:$0x7C1] =	sst s9;
	s16 =	sshra.s32 s11, $0x1F;
	s9 =	smulhi.u32 $0x4A90BE59, s10  }
0x117: {  	[smem:$0x7B4] =	sst s25;
	s25 =	smov.u32 s13;
	s13 =	smul.u32 $0x4A90BE59, s16  }
0x118: {  	[smem:$0x7C7] =	sst s17;
	s20 =	smul.u32 $0x14F8B589, s16  }
0x119: {  	[smem:$0x7B8] =	sst s22;
	s22 =	smulhi.u32 $0x4A90BE59, s11  }
0x11a: {  	[smem:$0x7B9] =	sst s3;
	s11 =	smulhi.u32 $0x14F8B589, s10  }
0x11b: {  	[smem:$0x7C0] =	sst s1;
	s1 =	sshra.s32 s10, $0x1F;
	s10 =	smulhi.u32 $0x4A90BE59, s5  }
0x11c: {  	[smem:$0x7BE] =	sst s0;
	s0 =	smulhi.u32 $0x14F8B589, s12  }
0x11d: {  	s2 =	smul.u32 $0x4A90BE59, s1;
	[smem:$0x7BB] =	sst s9  }
0x11e: {  	s3 =	smul.u32 $0x14F8B589, s1;
	[smem:$0x7B6] =	sst s13;
	s13 =	sshra.s32 s4, $0x1F  }
0x11f: {  	[smem:$0x7B7] =	sst s22;
	s22 =	smov.u32 s19;
	s19 =	smul.u32 $0x4A90BE59, s13  }
0x120: {  	[smem:$0x7C2] =	sst s20;
	s20 =	sshra.s32 s5, $0x1F;
	s16 =	smul.u32 $0x14F8B589, s13  }
0x121: {  	[smem:$0x7C5] =	sst s11;
	s11 =	smul.u32 $0x4A90BE59, s20  }
0x122: {  	s1 =	sshra.s32 s12, $0x1F;
	s9 =	sshra.s32 s23, $0x1F;
	s20 =	smul.u32 $0x14F8B589, s20  }
0x123: {  	[smem:$0x7D2] =	sst s9;
	s13 =	smul.u32 $0x4A90BE59, s1  }
0x124: {  	[smem:$0x7BA] =	sst s2;
	s2 =	smul.u32 $0x14F8B589, s1  }
0x125: {  	[smem:$0x7C4] =	sst s3;
	s3 =	smulhi.u32 $0x14F8B589, s5  }
0x126: {  	s5 =	smulhi.u32 $0x4A90BE59, s12;
	s12 =	sld [smem:$0x7B4]  }
0x127: {  	[smem:$0x7C6] =	sst s16;
	s16 =	smulhi.u32 $0x4A90BE59, s4  }
0x128: {  	s1 =	sshra.s32 s25, $0x1F;
	[smem:$0x7CA] =	sst s2;
	s2 =	smul.u32 $0x4A90BE59, s9  }
0x129: {  	[smem:$0x7C8] =	sst s20;
	s4 =	sshra.s32 s18, $0x1F;
	s20 =	smul.u32 $0x4A90BE59, s1  }
0x12a: {  	[smem:$0x7C9] =	sst s3;
	s9 =	sshra.s32 s29, $0x1F;
	s17 =	smul.u32 $0x4A90BE59, s4  }
0x12b: {  	[smem:$0x7D0] =	sst s4;
	s4 =	smul.u32 $0x4A90BE59, s9  }
0x12c: {  	s3 =	sadd.s32 s2, s8;
	s15 =	sadd.s32 s20, s15;
	s2 =	sshra.s32 s22, $0x1F  }
0x12d: {  	s19 =	sadd.s32 s19, s16;
	s16 =	sld [smem:$0x7B7];
	s28 =	sadd.s32 s17, s28  }
0x12e: {  	s17 =	sshra.s32 s7, $0x1F;
	[smem:$0x7CB] =	sst s3;
	s20 =	smul.u32 $0x4A90BE59, s2  }
0x12f: {  	s8 =	sshra.s32 s24, $0x1F;
	s3 =	sld [smem:$0x7BA];
	s7 =	smul.u32 $0x4A90BE59, s17  }
0x130: {  	s18 =	sadd.s32 s4, s31;
	[smem:$0x7CD] =	sst s17;
	s17 =	smul.u32 $0x4A90BE59, s8  }
0x131: {  	s21 =	sadd.s32 s20, s21;
	s20 =	sld [smem:$0x7B8];
	s31 =	sadd.s32 s7, s14  }
0x132: {  	s7 =	sadd.s32 s11, s10;
	s11 =	sadd.s32 s13, s5;
	s5 =	sld [smem:$0x7B2]  }
0x133: {  	s13 =	sld [smem:$0x7B5]  }
0x134: {  	s10 =	sadd.s32 s17, s6;
	s6 =	sld [smem:$0x7B3]  }
0x135: {  	s14 =	sld [smem:$0x7B6]  }
0x136: {  	s12 =	sadd.s32 s12, s13;
	s13 =	smul.u32 $0x4A90BE59, s26;
	s26 =	sld [smem:$0x7B9]  }
0x137: {  	s23 =	sadd.s32 s5, s6;
	s6 =	sld [smem:$0x7BB]  }
0x138: {  	s4 =	sadd.s32 s14, s16;
	s14 =	rddreg [dreg:$0x5]  }
0x139: {  	s5 =	smul.u32 $0x14F8B589, s2;
	s2 =	sld [smem:$0x7BE]  }
0x13a: {  	s16 =	sadd.s32 s20, s26;
	s20 =	sld [smem:$0x7BC]  }
0x13b: {  	s26 =	sadd.s32 s13, s14;
	s13 =	sld [smem:$0x7BF]  }
0x13c: {  	s6 =	sadd.s32 s3, s6;
	s3 =	smulhi.u32 $0x14F8B589, s25;
	s25 =	sld [smem:$0x7BD]  }
0x13d: {  	[dreg:$0x11] =	wrdreg s29  }
0x13e: {  	s13 =	sadd.s32 s2, s13;
	s2 =	smulhi.u32 $0x14F8B589, s24;
	s24 =	sld [smem:$0x7C2]  }
0x13f: {  	s17 =	smul.u32 $0x14F8B589, s1;
	s1 =	sadd.s32 s20, s25;
	s25 =	sld [smem:$0x7C3]  }
0x140: {  	[smem:$0x7CC] =	sst s1  }
0x141: {  	s1 =	smulhi.u32 $0x14F8B589, s22;
	s22 =	sld [smem:$0x7C4]  }
0x142: {  	s24 =	sadd.s32 s24, s25;
	s25 =	sld [smem:$0x7C5]  }
0x143: {  	s14 =	sld [smem:$0x7C0]  }
0x144: {  	s9 =	smul.u32 $0x14F8B589, s9;
	s20 =	sld [smem:$0x7C1]  }
0x145: {  	s8 =	smul.u32 $0x14F8B589, s8;
	s29 =	sadd.s32 s22, s25;
	s22 =	sld [smem:$0x7C6]  }
0x146: {  	v7 =	vsel vm7, s30, v7;
	s30 =	sshrl.u32 s18, $0x1F;
	s3 =	sadd.s32 s17, s3;
	s25 =	sld [smem:$0x7C7]  }
0x147: {  	s17 =	sshrl.u32 s11, $0x1F;
	s11 =	sshra.s32 s11, $0x11;
	[smem:$0x7CF] =	sst s3  }
0x148: {  	s3 =	sshrl.u32 s10, $0x1F;
	s20 =	sadd.s32 s14, s20;
	s14 =	sld [smem:$0x7C8]  }
0x149: {  	s10 =	sshra.s32 s10, $0x11;
	s22 =	sadd.s32 s22, s25;
	s25 =	sld [smem:$0x7C9]  }
0x14a: {  	v10 =	vmov s17;
	s17 =	sshra.s32 s16, $0x1F;
	v13 =	vmov s11;
	s11 =	sshra.s32 s4, $0x1F;
	s2 =	sadd.s32 s8, s2  }
0x14b: {  	[smem:$0x7D1] =	sst s2;
	s8 =	sadd.s32 s5, s1;
	s1 =	sshrl.u32 s7, $0x1F  }
0x14c: {  	s2 =	sshrl.u32 s15, $0x1F;
	v9 =	vmov s1;
	s25 =	sadd.s32 s14, s25;
	s14 =	sld [smem:$0x7CA]  }
0x14d: {  	v10 =	vsel vm0, s3, v10;
	s3 =	sshra.s32 s28, $0x11;
	s5 =	sshra.s32 s7, $0x11;
	s7 =	sshra.s32 s12, $0x11;
	v9 =	vsel vm0, s2, v9  }
0x14e: {  	s15 =	sshra.s32 s15, $0x11;
	s1 =	sshra.s32 s26, $0x1F;
	v9 =	vsel vm1, s30, v9;
	s30 =	sld [smem:$0x7CB]  }
0x14f: {  	s2 =	sshrl.u32 s4, $0x1F;
	s0 =	sadd.s32 s14, s0;
	s14 =	rddreg [dreg:$0x11]  }
0x150: {  	v11 =	vmov s5;
	[smem:$0x7CE] =	sst s0;
	s0 =	smulhi.u32 $0x14F8B589, s14;
	s14 =	sshra.s32 s23, $0x1F  }
0x151: {  	v13 =	vsel vm0, s10, v13;
	v11 =	vsel vm0, s15, v11;
	s15 =	sshra.s32 s6, $0x11;
	s10 =	sshra.s32 s30, $0x11;
	v8 =	vmov s14;
	s14 =	sshra.s32 s18, $0x11  }
0x152: {  	s18 =	sshrl.u32 s31, $0x1F;
	s0 =	sadd.s32 s9, s0;
	s9 =	sshra.s32 s12, $0x1F  }
0x153: {  	s12 =	sshrl.u32 s12, $0x1F;
	v8 =	vsel vm3, s7, v8;
	s7 =	sshra.s32 s16, $0x11;
	s16 =	sshrl.u32 s16, $0x1F  }
0x154: {  	v10 =	vsel vm1, s18, v10;
	s18 =	sshra.s32 s19, $0x1F;
	v11 =	vsel vm1, s14, v11;
	s14 =	sshra.s32 s21, $0x1F;
	[smem:$0x7D4] =	sst s0  }
0x155: {  	v8 =	vsel vm9, s9, v8;
	v12 =	vmov s12;
	s9 =	sshra.s32 s31, $0x11;
	s31 =	sshra.s32 s4, $0x11;
	s4 =	sshrl.u32 s28, $0x1F  }
0x156: {  	s28 =	sshra.s32 s6, $0x1F;
	s0 =	sshrl.u32 s6, $0x1F;
	s12 =	sshrl.u32 s19, $0x1F;
	v8 =	vsel vm0, s7, v8;
	v12 =	vnsel vm3, $0x0, v12  }
0x157: {  	s6 =	sshrl.u32 s23, $0x1F;
	v9 =	vsel vm2, s4, v9;
	s4 =	sshra.s32 s26, $0x11;
	v8 =	vsel vm10, s17, v8;
	v12 =	vsel vm0, s16, v12;
	s16 =	sld [smem:$0x7CC]  }
0x158: {  	v13 =	vsel vm1, s9, v13;
	s9 =	sshrl.u32 s26, $0x1F;
	s26 =	sshrl.u32 s29, $0x1F;
	s7 =	sshra.s32 s25, $0xC;
	v8 =	vsel vm1, s31, v8  }
0x159: {  	v6 =	vperm.xlane v6, v1;
	s17 =	sshra.s32 s19, $0x11;
	s19 =	sshra.s32 s21, $0x11;
	s31 =	sshrl.u32 s30, $0x1F;
	v8 =	vsel vm11, s11, v8  }
0x15a: {  	v7 =	vperm.xlane v7, v1;
	v12 =	vsel vm1, s2, v12;
	s2 =	sshra.s32 s23, $0x11;
	v8 =	vsel vm2, s15, v8;
	s15 =	sshrl.u32 s21, $0x1F;
	s21 =	sshra.s32 s16, $0x1F  }
0x15b: {  	s30 =	sshra.s32 s13, $0x1F;
	v10 =	vsel vm2, s31, v10;
	s31 =	sshrl.u32 s13, $0x1F;
	v8 =	vsel vm12, s28, v8;
	v14 =	vmov s21;
	s28 =	sshra.s32 s13, $0xC  }
0x15c: {  	v15 =	vmov s31;
	s31 =	sshrl.u32 s22, $0x1F;
	s13 =	sshra.s32 s20, $0xC;
	v8 =	vsel vm4, s17, v8;
	v14 =	vsel vm3, s28, v14;
	s28 =	sshra.s32 s22, $0xC  }
0x15d: {  	v15 =	vnsel vm3, $0x0, v15;
	v8 =	vsel vm13, s18, v8;
	v14 =	vsel vm9, s30, v14;
	s18 =	sshrl.u32 s20, $0x1F;
	s30 =	sshra.s32 s22, $0x1F;
	s22 =	sld [smem:$0x7D0]  }
0x15e: {  	v4 =	vsel vm8, v6, v4;
	s23 =	sshra.s32 s29, $0xC;
	s17 =	sshra.s32 s20, $0x1F;
	v14 =	vsel vm0, s13, v14;
	v15 =	vsel vm0, s18, v15;
	s18 =	sld [smem:$0x7CE]  }
0x15f: {  	v11 =	vsel vm2, s3, v11;
	s21 =	sshrl.u32 s24, $0x1F;
	s20 =	sshra.s32 s24, $0x1F;
	v8 =	vsel vm5, s19, v8;
	v14 =	vsel vm10, s17, v14;
	s17 =	sld [smem:$0x7CD]  }
0x160: {  	v13 =	vsel vm2, s10, v13;
	v12 =	vsel vm2, s0, v12;
	s19 =	sshra.s32 s24, $0xC;
	s24 =	sshra.s32 s29, $0x1F;
	v8 =	vsel vm14, s14, v8;
	s14 =	rddreg [dreg:$0x6]  }
0x161: {  	v12 =	vsel vm4, s12, v12;
	v14 =	vsel vm1, s19, v14;
	v8 =	vsel vm6, s4, v8;
	s4 =	sshrl.u32 s25, $0x1F;
	s19 =	rddreg [dreg:$0xe];
	s10 =	smul.u32 $0x14F8B589, s22  }
0x162: {  	v50 =	vcombine.low v13, v11;
	v12 =	vsel vm5, s15, v12;
	v15 =	vsel vm1, s21, v15;
	s11 =	smulhi.u32 $0x14F8B589, s14;
	s22 =	rddreg [dreg:$0xc];
	s3 =	sshrl.u32 s18, $0x1F  }
0x163: {  	v12 =	vsel vm6, s9, v12;
	v15 =	vsel vm2, s26, v15;
	v14 =	vsel vm11, s20, v14;
	s5 =	sshra.s32 s18, $0xC;
	s9 =	smulhi.u32 $0x14F8B589, s19;
	s20 =	sld [smem:$0x7CF]  }
0x164: {  	v9 =	vcombine.low v10, v9;
	v15 =	vsel vm4, s31, v15;
	s31 =	sshra.s32 s8, $0xC;
	s18 =	sld [smem:$0x7D3];
	s15 =	smul.u32 $0x14F8B589, s17;
	v14 =	vsel vm2, s23, v14  }
0x165: {  	v18 =	vmov s7;
	v56 =	vperm.xlane v50, v0;
	s23 =	sld [smem:$0x7D1];
	s17 =	sshrl.u32 s8, $0x1F;
	s19 =	sadd.s32 s10, s11;
	v14 =	vsel vm12, s24, v14  }
0x166: {  	v54 =	vperm.xlane v9, v0;
	v12 =	vsel vm7, s6, v12;
	s21 =	sshrl.u32 s20, $0x1F;
	v14 =	vsel vm4, s28, v14;
	s25 =	sshra.s32 s20, $0xC;
	s28 =	sld [smem:$0x7D2]  }
0x167: {  	v55 =	vperm.xlane v12, v1;
	v8 =	vsel vm15, s1, v8;
	s7 =	smul.u32 $0x14F8B589, s18;
	s20 =	sld [smem:$0x7D4];
	v14 =	vsel vm13, s30, v14;
	s30 =	sadd.s32 s15, s9  }
0x168: {  	v16 =	vmov s4;
	v8 =	vsel vm7, s2, v8;
	s15 =	sshra.s32 s8, $0x1F;
	s8 =	smulhi.u32 $0x14F8B589, s22;
	v18 =	vsel vm0, s25, v18;
	s25 =	rddreg [dreg:$0x7]  }
0x169: {  	v17 =	vmov s3;
	v19 =	vmov s5;
	v15 =	vsel vm5, s17, v15;
	s1 =	sshra.s32 s19, $0xC;
	s24 =	sshrl.u32 s23, $0x1F;
	s9 =	smulhi.u32 $0x14F8B589, s25  }
0x16a: {  	v8 =	vperm.xlane v8, v1;
	s26 =	sshra.s32 s23, $0xC;
	v16 =	vsel vm0, s21, v16;
	v14 =	vsel vm5, s31, v14;
	s23 =	sshrl.u32 s30, $0x1F;
	s13 =	smul.u32 $0x14F8B589, s28  }
0x16b: {  	v17 =	vsel vm0, s24, v17;
	v19 =	vsel vm0, s26, v19;
	s2 =	sshra.s32 s30, $0xC;
	s21 =	sshrl.u32 s20, $0x1F;
	s24 =	sshra.s32 s20, $0xC;
	v14 =	vsel vm14, s15, v14  }
0x16c: {  	s28 =	sshrl.u32 s19, $0x1F;
	v17 =	vsel vm1, s23, v17;
	v16 =	vsel vm1, s21, v16;
	v18 =	vsel vm1, s24, v18;
	s30 =	sadd.s32 s7, s9;
	s26 =	sadd.s32 s13, s8  }
0x16d: {  	v19 =	vsel vm1, s2, v19;
	v16 =	vsel vm2, s28, v16;
	v18 =	vsel vm2, s1, v18;
	s4 =	sshra.s32 s30, $0xC;
	s5 =	sshrl.u32 s30, $0x1F;
	s31 =	sshrl.u32 s26, $0x1F  }
0x16e: {  	s6 =	sshrl.u32 s16, $0x1F;
	s0 =	sshra.s32 s30, $0x1F;
	s3 =	sshra.s32 s26, $0xC;
	v14 =	vsel vm6, s4, v14;
	v15 =	vsel vm6, s5, v15;
	v17 =	vsel vm2, s31, v17  }
0x16f: {  	s7 =	sshra.s32 s16, $0xC;
	v19 =	vsel vm2, s3, v19;
	v15 =	vsel vm7, s6, v15;
	v51 =	vsel vm15, s0, v14  }
0x170: {  	v52 =	vcombine.low v17, v16;
	v11 =	vsel vm7, s7, v51;
	v53 =	vcombine.low v19, v18  }
0x171: {  	v5 =	vsel vm8, v7, v5;
	v59 =	vperm.xlane v15, v1;
	v11 =	vperm.xlane v11, v1  }
0x172: {  	v4 =	vadd.s32 v4, v5;
	v57 =	vperm.xlane v52, v0;
	v58 =	vperm.xlane v53, v0  }
0x173: {  	v4 =	vmul.u32 $0xC350, v4;
	v6 =	vsel vm8, v55, v54;
	v7 =	vsel vm8, v8, v56  }
0x174: {  	v60 =	vadd.s32 v6, v7;
	v61 =	vsel vm8, v59, v57;
	v62 =	vsel vm8, v11, v58  }
0x175: {  	v5 =	vmul.u32 $0x6DDD0, v60;
	s9 =	sld [smem:$0x7D5];
	v6 =	vadd.s32 v61, v62  }
0x176: {  	v2 =	vsub.s32 v2, v4;
	s8 =	rddreg [dreg:$0xb];
	v63 =	vmul.u32 $0xC350, v6  }
0x177: {  	s10 =	sld [smem:$0x7F9];
	[tilespmem:s8+$0x200] =	vst v2;
	v2 =	vsub.s32 v3, v5  }
0x178: {  	s12 =	simm.s32 $0x200;
	[tilespmem:s9+$0x400] =	vst v2;
	v2 =	vsub.s32 v3, v63  }
0x179: {  	s14 =	sld [smem:$0x7FA];
	s11 =	simm.s32 $0x80;
	s13 =	simm.s32 $0x600;
	[tilespmem:s9+$0x200] =	vst v2  }
0x17a: {  	[tilespmem:s13], [sflag:$0x1] =	stream.indirect.gather [hbm4b:s10+s11], $0x40, s12, s11, $0xb8;
	[tilespmem:$0x10600] =	vst v63  }
0x17b: {  	s29 =	simm.s32 $0x8600;
	s15 =	simm.s32 $0x400  }
0x17c: {  	[tilespmem:s29], [sflag:$0x2] =	stream.indirect.gather [hbm4b:s14+s11], $0x40, s15, s11, $0xb8;
	[tilespmem:$0x10600] =	vst v63  }
0x17d: {  	s17 =	simm.s32 $0x2600;
	s16 =	simm.s32 $0x280  }
0x17e: {  	[tilespmem:s17], [sflag:$0x1] =	stream.indirect.gather [hbm4b:s10+s11], $0x40, s16, s11, $0xb8;
	[tilespmem:$0x10600] =	vst v63  }
0x17f: {  	s18 =	simm.s32 $0x480;
	s19 =	simm.s32 $0xA600  }
0x180: {  	[tilespmem:s19], [sflag:$0x2] =	stream.indirect.gather [hbm4b:s14+s11], $0x40, s18, s11, $0xb8;
	[tilespmem:$0x10600] =	vst v63  }
0x181: {  	s20 =	simm.s32 $0x300;
	s21 =	simm.s32 $0x4600  }
0x182: {  	[tilespmem:s21], [sflag:$0x1] =	stream.indirect.gather [hbm4b:s10+s11], $0x40, s20, s11, $0xb8;
	[tilespmem:$0x10600] =	vst v63  }
0x183: {  	s22 =	simm.s32 $0x500;
	s23 =	simm.s32 $0xC600  }
0x184: {  	[tilespmem:s23], [sflag:$0x2] =	stream.indirect.gather [hbm4b:s14+s11], $0x40, s22, s11, $0xb8;
	[tilespmem:$0x10600] =	vst v63  }
0x185: {  	s25 =	simm.s32 $0x6600;
	s24 =	simm.s32 $0x380  }
0x186: {  	[tilespmem:s25], [sflag:$0x1] =	stream.indirect.gather [hbm4b:s10+s11], $0x40, s24, s11, $0xb8;
	[tilespmem:$0x10600] =	vst v63  }
0x187: {  	s28 =	simm.s32 $0xE600;
	s30 =	simm.s32 $0x1;
	s26 =	simm.s32 $0x580  }
0x188: {  	[tilespmem:s28], [sflag:$0x2] =	stream.indirect.gather [hbm4b:s14+s11], $0x40, s26, s11, $0xb8;
	[tilespmem:$0x10600] =	vst v63  }
0x189: {  	_ =	swait.ge [sflag:s30], $0x8000  }
0x18a: {  	[sflag:s30] =	ssyncset.done $0x0  }
0x18b: {  	s31 =	simm.s32 $0x2;
	[sflag:s30] =	ssyncadd.s32 $0xFFFF8000  }
0x18c: {  	_ =	swait.ge [sflag:s31], $0x8000  }
0x18d: {  	[sflag:s31] =	ssyncset.done $0x0  }
0x18e: {  	s2 =	simm.s32 $0x0;
	s0 =	simm.s32 $0x0;
	[sflag:s31] =	ssyncadd.s32 $0xFFFF8000  }
.LBB2_4:
0x18f: {  	v2 =	vld [tilespmem:s0+$0x0];
	_ =	sdelay $0x4  }
0x190: {  	(v2sf) =	vpush v2, $0xD;
	_ =	sdelay $0x1  }
0x191: {  	(v2sf) =	vpush v2, $0xC;
	_ =	sdelay $0x1  }
0x192: {  	(v2sf) =	vpush v2, $0xE;
	_ =	sdelay $0x1  }
0x193: {  	(v2sf) =	vpush v2, $0xF;
	_ =	sdelay $0x1  }
0x194: {  	(v2sf) =	vpush v2, $0x9;
	_ =	sdelay $0x1  }
0x195: {  	(v2sf) =	vpush v2, $0x8;
	_ =	sdelay $0x1  }
0x196: {  	(v2sf) =	vpush v2, $0xA;
	_ =	sdelay $0x1  }
0x197: {  	(v2sf) =	vpush v2, $0xB  }
0x198: {  	s1 =	spop (v2sf)  }
0x199: {  	(v2sf) =	vpush v2, $0x0;
	s3 =	smulhi.u32 $0x66666667, s1;
	s1 =	sshra.s32 s1, $0x1F  }
0x19a: {  	s4 =	spop (v2sf);
	s1 =	smul.u32 $0x66666667, s1  }
0x19b: {  	(v2sf) =	vpush v2, $0x1;
	s5 =	smulhi.u32 $0x66666667, s4;
	s4 =	sshra.s32 s4, $0x1F  }
0x19c: {  	(v2sf) =	vpush v2, $0x2;
	s6 =	spop (v2sf);
	s4 =	smul.u32 $0x66666667, s4  }
0x19d: {  	(v2sf) =	vpush v2, $0x3;
	s8 =	smulhi.u32 $0x66666667, s6;
	s6 =	sshra.s32 s6, $0x1F  }
0x19e: {  	(v2sf) =	vpush v2, $0x4;
	s7 =	spop (v2sf);
	s6 =	smul.u32 $0x66666667, s6  }
0x19f: {  	(v2sf) =	vpush v2, $0x5;
	s12 =	smulhi.u32 $0x66666667, s7;
	s7 =	sshra.s32 s7, $0x1F  }
0x1a0: {  	(v2sf) =	vpush v2, $0x6;
	s9 =	spop (v2sf);
	s7 =	smul.u32 $0x66666667, s7  }
0x1a1: {  	(v2sf) =	vpush v2, $0x7;
	s13 =	smulhi.u32 $0x66666667, s9;
	s9 =	sshra.s32 s9, $0x1F  }
0x1a2: {  	s10 =	spop (v2sf);
	s9 =	smul.u32 $0x66666667, s9  }
0x1a3: {  	s3 =	sadd.s32 s1, s3;
	s17 =	smulhi.u32 $0x66666667, s10;
	s10 =	sshra.s32 s10, $0x1F  }
0x1a4: {  	s5 =	sadd.s32 s4, s5;
	s11 =	spop (v2sf);
	s10 =	smul.u32 $0x66666667, s10  }
0x1a5: {  	s26 =	sshrl.u32 s5, $0x1F;
	s20 =	smulhi.u32 $0x66666667, s11;
	s11 =	sshra.s32 s11, $0x1F  }
0x1a6: {  	s4 =	sadd.s32 s6, s8;
	s14 =	spop (v2sf);
	s22 =	smul.u32 $0x66666667, s11  }
0x1a7: {  	s5 =	sshra.s32 s5, $0x2;
	s24 =	smulhi.u32 $0x66666667, s14;
	s14 =	sshra.s32 s14, $0x1F  }
0x1a8: {  	s1 =	sadd.s32 s7, s12;
	s15 =	spop (v2sf);
	s14 =	smul.u32 $0x66666667, s14  }
0x1a9: {  	s9 =	sadd.s32 s9, s13;
	s25 =	smulhi.u32 $0x66666667, s15;
	s30 =	sshra.s32 s15, $0x1F  }
0x1aa: {  	s16 =	spop (v2sf);
	s15 =	sshrl.u32 s3, $0x1F;
	s28 =	smul.u32 $0x66666667, s30  }
0x1ab: {  	s18 =	spop (v2sf);
	s8 =	smulhi.u32 $0x66666667, s16;
	s31 =	sshra.s32 s16, $0x1F  }
0x1ac: {  	s10 =	sadd.s32 s10, s17;
	s19 =	spop (v2sf);
	s12 =	smul.u32 $0x66666667, s31  }
0x1ad: {  	s13 =	smulhi.u32 $0x66666667, s18;
	s30 =	sshra.s32 s18, $0x1F;
	s21 =	spop (v2sf)  }
0x1ae: {  	s7 =	sadd.s32 s22, s20;
	s17 =	smul.u32 $0x66666667, s30;
	s23 =	spop (v2sf)  }
0x1af: {  	s20 =	smulhi.u32 $0x66666667, s19;
	s19 =	sshra.s32 s19, $0x1F;
	s11 =	spop (v2sf)  }
0x1b0: {  	s6 =	sadd.s32 s14, s24;
	s14 =	smul.u32 $0x66666667, s19;
	s31 =	spop (v2sf)  }
0x1b1: {  	s3 =	sshra.s32 s3, $0x2;
	s24 =	smulhi.u32 $0x66666667, s31;
	s19 =	sshra.s32 s31, $0x1F  }
0x1b2: {  	s16 =	sshrl.u32 s4, $0x1F;
	s18 =	sshrl.u32 s1, $0x1F;
	s30 =	smul.u32 $0x66666667, s19  }
0x1b3: {  	s22 =	sadd.s32 s28, s25;
	s28 =	sshra.s32 s21, $0x1F;
	s31 =	smulhi.u32 $0x66666667, s21  }
0x1b4: {  	s12 =	sadd.s32 s12, s8;
	s19 =	smul.u32 $0x66666667, s28;
	s8 =	sadd.s32 s30, s24  }
0x1b5: {  	s25 =	sshrl.u32 s9, $0x1F;
	s13 =	sadd.s32 s17, s13;
	s30 =	sshra.s32 s8, $0x1F  }
0x1b6: {  	v4 =	vmov s26;
	s14 =	sadd.s32 s14, s20;
	s17 =	sadd.s32 s19, s31;
	s31 =	sshra.s32 s22, $0x2;
	v3 =	vmov s30  }
0x1b7: {  	v4 =	vsel vm0, s15, v4;
	s15 =	smulhi.u32 $0x66666667, s23;
	s28 =	sshrl.u32 s22, $0x1F;
	s22 =	sshra.s32 s22, $0x1F;
	v3 =	vsel vm3, s31, v3  }
0x1b8: {  	v4 =	vsel vm1, s16, v4;
	s23 =	sshra.s32 s23, $0x1F;
	s16 =	sshra.s32 s14, $0x2;
	s31 =	sshra.s32 s12, $0x2;
	v3 =	vsel vm9, s22, v3  }
0x1b9: {  	v63 =	vmov s5;
	v4 =	vsel vm2, s18, v4;
	s21 =	sshrl.u32 s10, $0x1F;
	s30 =	sshrl.u32 s12, $0x1F;
	s12 =	sshra.s32 s12, $0x1F;
	v3 =	vsel vm0, s31, v3  }
0x1ba: {  	s23 =	smul.u32 $0x66666667, s23;
	s10 =	sshra.s32 s10, $0x2;
	v6 =	vmov s21;
	v5 =	vmov s28;
	s28 =	sshra.s32 s13, $0x2;
	v3 =	vsel vm10, s12, v3  }
0x1bb: {  	v7 =	vmov s10;
	v6 =	vsel vm0, s25, v6;
	s25 =	sshra.s32 s9, $0x2;
	s22 =	sshrl.u32 s13, $0x1F;
	s13 =	sshra.s32 s13, $0x1F;
	v3 =	vsel vm1, s28, v3  }
0x1bc: {  	s26 =	smulhi.u32 $0x66666667, s11;
	s11 =	sshra.s32 s11, $0x1F;
	s24 =	sshrl.u32 s7, $0x1F;
	v5 =	vnsel vm3, $0x0, v5;
	v7 =	vsel vm0, s25, v7;
	v3 =	vsel vm11, s13, v3  }
0x1bd: {  	s11 =	smul.u32 $0x66666667, s11;
	s21 =	sshra.s32 s14, $0x1F;
	s19 =	sshrl.u32 s6, $0x1F;
	v6 =	vsel vm1, s24, v6;
	v5 =	vsel vm0, s30, v5;
	v3 =	vsel vm2, s16, v3  }
0x1be: {  	v6 =	vsel vm2, s19, v6;
	s30 =	sshrl.u32 s14, $0x1F;
	v5 =	vsel vm1, s22, v5;
	s12 =	sadd.s32 s23, s15;
	s23 =	sshra.s32 s17, $0x2;
	v3 =	vsel vm12, s21, v3  }
0x1bf: {  	s11 =	sadd.s32 s11, s26;
	s24 =	sshra.s32 s17, $0x1F;
	v4 =	vcombine.low v6, v4;
	s31 =	sshrl.u32 s17, $0x1F;
	v5 =	vsel vm2, s30, v5;
	v3 =	vsel vm4, s23, v3  }
0x1c0: {  	v6 =	vsel vm0, s3, v63;
	s30 =	sshra.s32 s7, $0x2;
	v5 =	vsel vm4, s31, v5;
	s20 =	sshrl.u32 s12, $0x1F;
	s26 =	sshra.s32 s12, $0x2;
	v3 =	vsel vm13, s24, v3  }
0x1c1: {  	s7 =	sshra.s32 s6, $0x2;
	s28 =	sshra.s32 s4, $0x2;
	s31 =	sshra.s32 s12, $0x1F;
	v7 =	vsel vm1, s30, v7;
	v5 =	vsel vm5, s20, v5;
	v3 =	vsel vm5, s26, v3  }
0x1c2: {  	s1 =	sshra.s32 s1, $0x2;
	s9 =	sshra.s32 s11, $0x2;
	s22 =	sshrl.u32 s11, $0x1F;
	v6 =	vsel vm1, s28, v6;
	v7 =	vsel vm2, s7, v7;
	v3 =	vsel vm14, s31, v3  }
0x1c3: {  	s10 =	sshrl.u32 s8, $0x1F;
	s11 =	sshra.s32 s11, $0x1F;
	v5 =	vsel vm6, s22, v5;
	v6 =	vsel vm2, s1, v6;
	v3 =	vsel vm6, s9, v3  }
0x1c4: {  	s12 =	sshra.s32 s8, $0x2;
	v6 =	vcombine.low v7, v6;
	v5 =	vsel vm7, s10, v5;
	v3 =	vsel vm15, s11, v3  }
0x1c5: {  	v4 =	vperm.xlane v4, v0;
	v5 =	vperm.xlane v5, v1;
	v3 =	vsel vm7, s12, v3  }
0x1c6: {  	v6 =	vperm.xlane v6, v0;
	v3 =	vperm.xlane v3, v1;
	_ =	sdelay $0x1  }
0x1c7: {  	v4 =	vsel vm8, v5, v4;
	v3 =	vsel vm8, v3, v6  }
0x1c8: {  	v3 =	vadd.s32 v4, v3  }
0x1c9: {  	v3 =	vmul.u32 $0xA, v3;
	_ =	sdelay $0x1  }
0x1ca: {  	v2 =	vsub.s32 v2, v3  }
0x1cb: {  	(v2sf) =	vpush v2, $0x0;
	_ =	sdelay $0xe  }
0x1cc: {  	s14 =	sshra.s32 s2, $0x2;
	s13 =	spop (v2sf)  }
0x1cd: {  	s3 =	sadd.s32 $0x8600, s14;
	s1 =	sadd.s32 $0x600, s14;
	p0 =	seq.s32 s13, $0x0  }
0x1ce: {  	s3 =	smov.u32 @p0 s1  }
0x1cf: {  	v3 =	vld [tilespmem:s3+$0x0];
	_ =	sdelay $0x3  }
0x1d0: {  	s1 =	sadd.s32 $0x610, s14;
	s3 =	sadd.s32 $0x8610, s14  }
0x1d1: {  	s3 =	smov.u32 @p0 s1;
	[tilespmem:s14+$0x8600] =	vst v3  }
0x1d2: {  	(v2sf) =	vpush v2, $0x1;
	v3 =	vld [tilespmem:s3+$0x0];
	_ =	sdelay $0x3  }
0x1d3: {  	s1 =	sadd.s32 $0x620, s14;
	s3 =	sadd.s32 $0x8620, s14  }
0x1d4: {  	s3 =	smov.u32 @p0 s1;
	[tilespmem:s14+$0x8610] =	vst v3  }
0x1d5: {  	v3 =	vld [tilespmem:s3+$0x0];
	_ =	sdelay $0x3  }
0x1d6: {  	s1 =	sadd.s32 $0x630, s14;
	s3 =	sadd.s32 $0x8630, s14  }
0x1d7: {  	s3 =	smov.u32 @p0 s1;
	[tilespmem:s14+$0x8620] =	vst v3  }
0x1d8: {  	v3 =	vld [tilespmem:s3+$0x0];
	_ =	sdelay $0x2  }
0x1d9: {  	s15 =	spop (v2sf)  }
0x1da: {  	p0 =	seq.s32 s15, $0x0;
	s1 =	sadd.s32 $0x640, s14;
	s3 =	sadd.s32 $0x8640, s14  }
0x1db: {  	s3 =	smov.u32 @p0 s1;
	[tilespmem:s14+$0x8630] =	vst v3  }
0x1dc: {  	v3 =	vld [tilespmem:s3+$0x0];
	_ =	sdelay $0x3  }
0x1dd: {  	s1 =	sadd.s32 $0x650, s14;
	s3 =	sadd.s32 $0x8650, s14  }
0x1de: {  	s3 =	smov.u32 @p0 s1;
	[tilespmem:s14+$0x8640] =	vst v3  }
0x1df: {  	(v2sf) =	vpush v2, $0x2;
	v3 =	vld [tilespmem:s3+$0x0];
	_ =	sdelay $0x3  }
0x1e0: {  	s1 =	sadd.s32 $0x660, s14;
	s3 =	sadd.s32 $0x8660, s14  }
0x1e1: {  	s3 =	smov.u32 @p0 s1;
	[tilespmem:s14+$0x8650] =	vst v3  }
0x1e2: {  	v3 =	vld [tilespmem:s3+$0x0];
	_ =	sdelay $0x3  }
0x1e3: {  	s1 =	sadd.s32 $0x670, s14;
	s3 =	sadd.s32 $0x8670, s14  }
0x1e4: {  	s3 =	smov.u32 @p0 s1;
	[tilespmem:s14+$0x8660] =	vst v3  }
0x1e5: {  	v3 =	vld [tilespmem:s3+$0x0];
	_ =	sdelay $0x2  }
0x1e6: {  	s16 =	spop (v2sf)  }
0x1e7: {  	p0 =	seq.s32 s16, $0x0;
	s1 =	sadd.s32 $0x680, s14;
	s3 =	sadd.s32 $0x8680, s14  }
0x1e8: {  	s3 =	smov.u32 @p0 s1;
	[tilespmem:s14+$0x8670] =	vst v3  }
0x1e9: {  	v3 =	vld [tilespmem:s3+$0x0];
	_ =	sdelay $0x3  }
0x1ea: {  	s1 =	sadd.s32 $0x690, s14;
	s3 =	sadd.s32 $0x8690, s14  }
0x1eb: {  	s3 =	smov.u32 @p0 s1;
	[tilespmem:s14+$0x8680] =	vst v3  }
0x1ec: {  	(v2sf) =	vpush v2, $0x3;
	v3 =	vld [tilespmem:s3+$0x0];
	_ =	sdelay $0x3  }
0x1ed: {  	s1 =	sadd.s32 $0x6A0, s14;
	s3 =	sadd.s32 $0x86A0, s14  }
0x1ee: {  	s3 =	smov.u32 @p0 s1;
	[tilespmem:s14+$0x8690] =	vst v3  }
0x1ef: {  	v3 =	vld [tilespmem:s3+$0x0];
	_ =	sdelay $0x3  }
0x1f0: {  	s1 =	sadd.s32 $0x6B0, s14;
	s3 =	sadd.s32 $0x86B0, s14  }
0x1f1: {  	s3 =	smov.u32 @p0 s1;
	[tilespmem:s14+$0x86A0] =	vst v3  }
0x1f2: {  	v3 =	vld [tilespmem:s3+$0x0];
	_ =	sdelay $0x2  }
0x1f3: {  	s17 =	spop (v2sf)  }
0x1f4: {  	p0 =	seq.s32 s17, $0x0;
	s1 =	sadd.s32 $0x6C0, s14;
	s3 =	sadd.s32 $0x86C0, s14  }
0x1f5: {  	s3 =	smov.u32 @p0 s1;
	[tilespmem:s14+$0x86B0] =	vst v3  }
0x1f6: {  	v3 =	vld [tilespmem:s3+$0x0];
	_ =	sdelay $0x3  }
0x1f7: {  	s1 =	sadd.s32 $0x6D0, s14;
	s3 =	sadd.s32 $0x86D0, s14  }
0x1f8: {  	s3 =	smov.u32 @p0 s1;
	[tilespmem:s14+$0x86C0] =	vst v3  }
0x1f9: {  	(v2sf) =	vpush v2, $0x4;
	v3 =	vld [tilespmem:s3+$0x0];
	_ =	sdelay $0x3  }
0x1fa: {  	s1 =	sadd.s32 $0x6E0, s14;
	s3 =	sadd.s32 $0x86E0, s14  }
0x1fb: {  	s3 =	smov.u32 @p0 s1;
	[tilespmem:s14+$0x86D0] =	vst v3  }
0x1fc: {  	v3 =	vld [tilespmem:s3+$0x0];
	_ =	sdelay $0x3  }
0x1fd: {  	s1 =	sadd.s32 $0x6F0, s14;
	s3 =	sadd.s32 $0x86F0, s14  }
0x1fe: {  	s3 =	smov.u32 @p0 s1;
	[tilespmem:s14+$0x86E0] =	vst v3  }
0x1ff: {  	v3 =	vld [tilespmem:s3+$0x0];
	_ =	sdelay $0x2  }
0x200: {  	s18 =	spop (v2sf)  }
0x201: {  	p0 =	seq.s32 s18, $0x0;
	s1 =	sadd.s32 $0x700, s14;
	s3 =	sadd.s32 $0x8700, s14  }
0x202: {  	s3 =	smov.u32 @p0 s1;
	[tilespmem:s14+$0x86F0] =	vst v3  }
0x203: {  	v3 =	vld [tilespmem:s3+$0x0];
	_ =	sdelay $0x3  }
0x204: {  	s1 =	sadd.s32 $0x710, s14;
	s3 =	sadd.s32 $0x8710, s14  }
0x205: {  	s3 =	smov.u32 @p0 s1;
	[tilespmem:s14+$0x8700] =	vst v3  }
0x206: {  	(v2sf) =	vpush v2, $0x5;
	v3 =	vld [tilespmem:s3+$0x0];
	_ =	sdelay $0x3  }
0x207: {  	s1 =	sadd.s32 $0x720, s14;
	s3 =	sadd.s32 $0x8720, s14  }
0x208: {  	s3 =	smov.u32 @p0 s1;
	[tilespmem:s14+$0x8710] =	vst v3  }
0x209: {  	v3 =	vld [tilespmem:s3+$0x0];
	_ =	sdelay $0x3  }
0x20a: {  	s1 =	sadd.s32 $0x730, s14;
	s3 =	sadd.s32 $0x8730, s14  }
0x20b: {  	s3 =	smov.u32 @p0 s1;
	[tilespmem:s14+$0x8720] =	vst v3  }
0x20c: {  	v3 =	vld [tilespmem:s3+$0x0];
	_ =	sdelay $0x2  }
0x20d: {  	s19 =	spop (v2sf)  }
0x20e: {  	p0 =	seq.s32 s19, $0x0;
	s1 =	sadd.s32 $0x740, s14;
	s3 =	sadd.s32 $0x8740, s14  }
0x20f: {  	s3 =	smov.u32 @p0 s1;
	[tilespmem:s14+$0x8730] =	vst v3  }
0x210: {  	v3 =	vld [tilespmem:s3+$0x0];
	_ =	sdelay $0x3  }
0x211: {  	s1 =	sadd.s32 $0x750, s14;
	s3 =	sadd.s32 $0x8750, s14  }
0x212: {  	s3 =	smov.u32 @p0 s1;
	[tilespmem:s14+$0x8740] =	vst v3  }
0x213: {  	(v2sf) =	vpush v2, $0x6;
	v3 =	vld [tilespmem:s3+$0x0];
	_ =	sdelay $0x3  }
0x214: {  	s1 =	sadd.s32 $0x760, s14;
	s3 =	sadd.s32 $0x8760, s14  }
0x215: {  	s3 =	smov.u32 @p0 s1;
	[tilespmem:s14+$0x8750] =	vst v3  }
0x216: {  	v3 =	vld [tilespmem:s3+$0x0];
	_ =	sdelay $0x3  }
0x217: {  	s1 =	sadd.s32 $0x770, s14;
	s3 =	sadd.s32 $0x8770, s14  }
0x218: {  	s3 =	smov.u32 @p0 s1;
	[tilespmem:s14+$0x8760] =	vst v3  }
0x219: {  	v3 =	vld [tilespmem:s3+$0x0];
	_ =	sdelay $0x2  }
0x21a: {  	s20 =	spop (v2sf)  }
0x21b: {  	p0 =	seq.s32 s20, $0x0;
	s1 =	sadd.s32 $0x780, s14;
	s3 =	sadd.s32 $0x8780, s14  }
0x21c: {  	s3 =	smov.u32 @p0 s1;
	[tilespmem:s14+$0x8770] =	vst v3  }
0x21d: {  	v3 =	vld [tilespmem:s3+$0x0];
	_ =	sdelay $0x3  }
0x21e: {  	s1 =	sadd.s32 $0x790, s14;
	s3 =	sadd.s32 $0x8790, s14  }
0x21f: {  	s3 =	smov.u32 @p0 s1;
	[tilespmem:s14+$0x8780] =	vst v3  }
0x220: {  	(v2sf) =	vpush v2, $0x7;
	v3 =	vld [tilespmem:s3+$0x0];
	_ =	sdelay $0x3  }
0x221: {  	s1 =	sadd.s32 $0x7A0, s14;
	s3 =	sadd.s32 $0x87A0, s14  }
0x222: {  	s3 =	smov.u32 @p0 s1;
	[tilespmem:s14+$0x8790] =	vst v3  }
0x223: {  	v3 =	vld [tilespmem:s3+$0x0];
	_ =	sdelay $0x3  }
0x224: {  	s1 =	sadd.s32 $0x7B0, s14;
	s3 =	sadd.s32 $0x87B0, s14  }
0x225: {  	s3 =	smov.u32 @p0 s1;
	[tilespmem:s14+$0x87A0] =	vst v3  }
0x226: {  	v3 =	vld [tilespmem:s3+$0x0];
	_ =	sdelay $0x2  }
0x227: {  	s21 =	spop (v2sf)  }
0x228: {  	p0 =	seq.s32 s21, $0x0;
	s1 =	sadd.s32 $0x7C0, s14;
	s3 =	sadd.s32 $0x87C0, s14  }
0x229: {  	s3 =	smov.u32 @p0 s1;
	[tilespmem:s14+$0x87B0] =	vst v3  }
0x22a: {  	v3 =	vld [tilespmem:s3+$0x0];
	_ =	sdelay $0x3  }
0x22b: {  	s1 =	sadd.s32 $0x7D0, s14;
	s3 =	sadd.s32 $0x87D0, s14  }
0x22c: {  	s3 =	smov.u32 @p0 s1;
	[tilespmem:s14+$0x87C0] =	vst v3  }
0x22d: {  	(v2sf) =	vpush v2, $0x8;
	v3 =	vld [tilespmem:s3+$0x0];
	_ =	sdelay $0x3  }
0x22e: {  	s1 =	sadd.s32 $0x7E0, s14;
	s3 =	sadd.s32 $0x87E0, s14  }
0x22f: {  	s3 =	smov.u32 @p0 s1;
	[tilespmem:s14+$0x87D0] =	vst v3  }
0x230: {  	v3 =	vld [tilespmem:s3+$0x0];
	_ =	sdelay $0x3  }
0x231: {  	s1 =	sadd.s32 $0x7F0, s14;
	s3 =	sadd.s32 $0x87F0, s14  }
0x232: {  	s3 =	smov.u32 @p0 s1;
	[tilespmem:s14+$0x87E0] =	vst v3  }
0x233: {  	v3 =	vld [tilespmem:s3+$0x0];
	_ =	sdelay $0x2  }
0x234: {  	s22 =	spop (v2sf)  }
0x235: {  	p0 =	seq.s32 s22, $0x0;
	s1 =	sadd.s32 $0x800, s14;
	s3 =	sadd.s32 $0x8800, s14  }
0x236: {  	s3 =	smov.u32 @p0 s1;
	[tilespmem:s14+$0x87F0] =	vst v3  }
0x237: {  	v3 =	vld [tilespmem:s3+$0x0];
	_ =	sdelay $0x3  }
0x238: {  	s1 =	sadd.s32 $0x810, s14;
	s3 =	sadd.s32 $0x8810, s14  }
0x239: {  	s3 =	smov.u32 @p0 s1;
	[tilespmem:s14+$0x8800] =	vst v3  }
0x23a: {  	(v2sf) =	vpush v2, $0x9;
	v3 =	vld [tilespmem:s3+$0x0];
	_ =	sdelay $0x3  }
0x23b: {  	s1 =	sadd.s32 $0x820, s14;
	s3 =	sadd.s32 $0x8820, s14  }
0x23c: {  	s3 =	smov.u32 @p0 s1;
	[tilespmem:s14+$0x8810] =	vst v3  }
0x23d: {  	v3 =	vld [tilespmem:s3+$0x0];
	_ =	sdelay $0x3  }
0x23e: {  	s1 =	sadd.s32 $0x830, s14;
	s3 =	sadd.s32 $0x8830, s14  }
0x23f: {  	s3 =	smov.u32 @p0 s1;
	[tilespmem:s14+$0x8820] =	vst v3  }
0x240: {  	v3 =	vld [tilespmem:s3+$0x0];
	_ =	sdelay $0x2  }
0x241: {  	s23 =	spop (v2sf)  }
0x242: {  	p0 =	seq.s32 s23, $0x0;
	s1 =	sadd.s32 $0x840, s14;
	s3 =	sadd.s32 $0x8840, s14  }
0x243: {  	s3 =	smov.u32 @p0 s1;
	[tilespmem:s14+$0x8830] =	vst v3  }
0x244: {  	v3 =	vld [tilespmem:s3+$0x0];
	_ =	sdelay $0x3  }
0x245: {  	s1 =	sadd.s32 $0x850, s14;
	s3 =	sadd.s32 $0x8850, s14  }
0x246: {  	s3 =	smov.u32 @p0 s1;
	[tilespmem:s14+$0x8840] =	vst v3  }
0x247: {  	(v2sf) =	vpush v2, $0xA;
	v3 =	vld [tilespmem:s3+$0x0];
	_ =	sdelay $0x3  }
0x248: {  	s1 =	sadd.s32 $0x860, s14;
	s3 =	sadd.s32 $0x8860, s14  }
0x249: {  	s3 =	smov.u32 @p0 s1;
	[tilespmem:s14+$0x8850] =	vst v3  }
0x24a: {  	v3 =	vld [tilespmem:s3+$0x0];
	_ =	sdelay $0x3  }
0x24b: {  	s1 =	sadd.s32 $0x870, s14;
	s3 =	sadd.s32 $0x8870, s14  }
0x24c: {  	s3 =	smov.u32 @p0 s1;
	[tilespmem:s14+$0x8860] =	vst v3  }
0x24d: {  	v3 =	vld [tilespmem:s3+$0x0];
	_ =	sdelay $0x2  }
0x24e: {  	s24 =	spop (v2sf)  }
0x24f: {  	p0 =	seq.s32 s24, $0x0;
	s1 =	sadd.s32 $0x880, s14;
	s3 =	sadd.s32 $0x8880, s14  }
0x250: {  	s3 =	smov.u32 @p0 s1;
	[tilespmem:s14+$0x8870] =	vst v3  }
0x251: {  	v3 =	vld [tilespmem:s3+$0x0];
	_ =	sdelay $0x3  }
0x252: {  	s1 =	sadd.s32 $0x890, s14;
	s3 =	sadd.s32 $0x8890, s14  }
0x253: {  	s3 =	smov.u32 @p0 s1;
	[tilespmem:s14+$0x8880] =	vst v3  }
0x254: {  	(v2sf) =	vpush v2, $0xB;
	v3 =	vld [tilespmem:s3+$0x0];
	_ =	sdelay $0x3  }
0x255: {  	s1 =	sadd.s32 $0x8A0, s14;
	s3 =	sadd.s32 $0x88A0, s14  }
0x256: {  	s3 =	smov.u32 @p0 s1;
	[tilespmem:s14+$0x8890] =	vst v3  }
0x257: {  	v3 =	vld [tilespmem:s3+$0x0];
	_ =	sdelay $0x3  }
0x258: {  	s1 =	sadd.s32 $0x8B0, s14;
	s3 =	sadd.s32 $0x88B0, s14  }
0x259: {  	s3 =	smov.u32 @p0 s1;
	[tilespmem:s14+$0x88A0] =	vst v3  }
0x25a: {  	v3 =	vld [tilespmem:s3+$0x0];
	_ =	sdelay $0x2  }
0x25b: {  	s25 =	spop (v2sf)  }
0x25c: {  	p0 =	seq.s32 s25, $0x0;
	s1 =	sadd.s32 $0x8C0, s14;
	s3 =	sadd.s32 $0x88C0, s14  }
0x25d: {  	s3 =	smov.u32 @p0 s1;
	[tilespmem:s14+$0x88B0] =	vst v3  }
0x25e: {  	v3 =	vld [tilespmem:s3+$0x0];
	_ =	sdelay $0x3  }
0x25f: {  	s1 =	sadd.s32 $0x8D0, s14;
	s3 =	sadd.s32 $0x88D0, s14  }
0x260: {  	s3 =	smov.u32 @p0 s1;
	[tilespmem:s14+$0x88C0] =	vst v3  }
0x261: {  	(v2sf) =	vpush v2, $0xC;
	v3 =	vld [tilespmem:s3+$0x0];
	_ =	sdelay $0x3  }
0x262: {  	s1 =	sadd.s32 $0x8E0, s14;
	s3 =	sadd.s32 $0x88E0, s14  }
0x263: {  	s3 =	smov.u32 @p0 s1;
	[tilespmem:s14+$0x88D0] =	vst v3  }
0x264: {  	v3 =	vld [tilespmem:s3+$0x0];
	_ =	sdelay $0x3  }
0x265: {  	s1 =	sadd.s32 $0x8F0, s14;
	s3 =	sadd.s32 $0x88F0, s14  }
0x266: {  	s3 =	smov.u32 @p0 s1;
	[tilespmem:s14+$0x88E0] =	vst v3  }
0x267: {  	v3 =	vld [tilespmem:s3+$0x0];
	_ =	sdelay $0x2  }
0x268: {  	s26 =	spop (v2sf)  }
0x269: {  	p0 =	seq.s32 s26, $0x0;
	s1 =	sadd.s32 $0x900, s14;
	s3 =	sadd.s32 $0x8900, s14  }
0x26a: {  	s3 =	smov.u32 @p0 s1;
	[tilespmem:s14+$0x88F0] =	vst v3  }
0x26b: {  	v3 =	vld [tilespmem:s3+$0x0];
	_ =	sdelay $0x3  }
0x26c: {  	s1 =	sadd.s32 $0x910, s14;
	s3 =	sadd.s32 $0x8910, s14  }
0x26d: {  	s3 =	smov.u32 @p0 s1;
	[tilespmem:s14+$0x8900] =	vst v3  }
0x26e: {  	(v2sf) =	vpush v2, $0xD;
	v3 =	vld [tilespmem:s3+$0x0];
	_ =	sdelay $0x3  }
0x26f: {  	s1 =	sadd.s32 $0x920, s14;
	s3 =	sadd.s32 $0x8920, s14  }
0x270: {  	s3 =	smov.u32 @p0 s1;
	[tilespmem:s14+$0x8910] =	vst v3  }
0x271: {  	v3 =	vld [tilespmem:s3+$0x0];
	_ =	sdelay $0x3  }
0x272: {  	s1 =	sadd.s32 $0x930, s14;
	s3 =	sadd.s32 $0x8930, s14  }
0x273: {  	s3 =	smov.u32 @p0 s1;
	[tilespmem:s14+$0x8920] =	vst v3  }
0x274: {  	v3 =	vld [tilespmem:s3+$0x0];
	_ =	sdelay $0x2  }
0x275: {  	s28 =	spop (v2sf)  }
0x276: {  	p0 =	seq.s32 s28, $0x0;
	s1 =	sadd.s32 $0x940, s14;
	s3 =	sadd.s32 $0x8940, s14  }
0x277: {  	s3 =	smov.u32 @p0 s1;
	[tilespmem:s14+$0x8930] =	vst v3  }
0x278: {  	v3 =	vld [tilespmem:s3+$0x0];
	_ =	sdelay $0x3  }
0x279: {  	s1 =	sadd.s32 $0x950, s14;
	s3 =	sadd.s32 $0x8950, s14  }
0x27a: {  	s3 =	smov.u32 @p0 s1;
	[tilespmem:s14+$0x8940] =	vst v3  }
0x27b: {  	(v2sf) =	vpush v2, $0xE;
	v3 =	vld [tilespmem:s3+$0x0];
	_ =	sdelay $0x3  }
0x27c: {  	s1 =	sadd.s32 $0x960, s14;
	s3 =	sadd.s32 $0x8960, s14  }
0x27d: {  	s3 =	smov.u32 @p0 s1;
	[tilespmem:s14+$0x8950] =	vst v3  }
0x27e: {  	v3 =	vld [tilespmem:s3+$0x0];
	_ =	sdelay $0x3  }
0x27f: {  	s1 =	sadd.s32 $0x970, s14;
	s3 =	sadd.s32 $0x8970, s14  }
0x280: {  	s3 =	smov.u32 @p0 s1;
	[tilespmem:s14+$0x8960] =	vst v3  }
0x281: {  	v3 =	vld [tilespmem:s3+$0x0];
	_ =	sdelay $0x2  }
0x282: {  	s30 =	spop (v2sf)  }
0x283: {  	p0 =	seq.s32 s30, $0x0;
	s1 =	sadd.s32 $0x980, s14;
	s3 =	sadd.s32 $0x8980, s14  }
0x284: {  	s3 =	smov.u32 @p0 s1;
	[tilespmem:s14+$0x8970] =	vst v3  }
0x285: {  	v3 =	vld [tilespmem:s3+$0x0];
	_ =	sdelay $0x3  }
0x286: {  	s1 =	sadd.s32 $0x990, s14;
	s3 =	sadd.s32 $0x8990, s14  }
0x287: {  	s3 =	smov.u32 @p0 s1;
	[tilespmem:s14+$0x8980] =	vst v3  }
0x288: {  	(v2sf) =	vpush v2, $0xF;
	v3 =	vld [tilespmem:s3+$0x0];
	_ =	sdelay $0x3  }
0x289: {  	s1 =	sadd.s32 $0x9A0, s14;
	s3 =	sadd.s32 $0x89A0, s14  }
0x28a: {  	s3 =	smov.u32 @p0 s1;
	[tilespmem:s14+$0x8990] =	vst v3  }
0x28b: {  	v2 =	vld [tilespmem:s3+$0x0];
	_ =	sdelay $0x3  }
0x28c: {  	s1 =	sadd.s32 $0x9B0, s14;
	s3 =	sadd.s32 $0x89B0, s14  }
0x28d: {  	s3 =	smov.u32 @p0 s1;
	[tilespmem:s14+$0x89A0] =	vst v2  }
0x28e: {  	v2 =	vld [tilespmem:s3+$0x0];
	_ =	sdelay $0x2  }
0x28f: {  	s31 =	spop (v2sf)  }
0x290: {  	p0 =	seq.s32 s31, $0x0;
	s1 =	sadd.s32 $0x9C0, s14;
	s3 =	sadd.s32 $0x89C0, s14  }
0x291: {  	s3 =	smov.u32 @p0 s1;
	[tilespmem:s14+$0x89B0] =	vst v2  }
0x292: {  	v2 =	vld [tilespmem:s3+$0x0];
	_ =	sdelay $0x3  }
0x293: {  	s1 =	sadd.s32 $0x9D0, s14;
	s3 =	sadd.s32 $0x89D0, s14  }
0x294: {  	s3 =	smov.u32 @p0 s1;
	[tilespmem:s14+$0x89C0] =	vst v2  }
0x295: {  	v2 =	vld [tilespmem:s3+$0x0];
	_ =	sdelay $0x3  }
0x296: {  	s1 =	sadd.s32 $0x9E0, s14;
	s3 =	sadd.s32 $0x89E0, s14  }
0x297: {  	s3 =	smov.u32 @p0 s1;
	[tilespmem:s14+$0x89D0] =	vst v2  }
0x298: {  	v2 =	vld [tilespmem:s3+$0x0];
	_ =	sdelay $0x3  }
0x299: {  	s1 =	sadd.s32 $0x9F0, s14;
	s3 =	sadd.s32 $0x89F0, s14  }
0x29a: {  	s3 =	smov.u32 @p0 s1;
	[tilespmem:s14+$0x89E0] =	vst v2  }
0x29b: {  	p0 =	sne.s32 s2, $0x1F000;
	v2 =	vld [tilespmem:s3+$0x0]  }
.Ltmp1:
0x29c: {  	_ = 	snop;
	(pc) =	sbr.rel @p0 .LBB2_4-.Ltmp1, $2  }
0x29d: {  	_ =	sdelay $0x2  }
0x29e: {  	s0 =	sadd.s32 $0x10, s0;
	s2 =	sadd.s32 $0x1000, s2;
	[tilespmem:s14+$0x89F0] =	vst v2  }
0x29f: {  	s0 =	sld [smem:$0x7FC];
	_ =	sdelay $0x1  }
0x2a0: {  	s6 =	simm.s32 $0x0;
	s1 =	simm.s32 $0x3  }
0x2a1: {  	[hbm4b:s0+s6] =	stream.linear.scatter [tilespmem:s29], [sflag:$0x3], $0x8000, $0x38;
	[tilespmem:$0x10600] =	vst v63  }
0x2a2: {  	_ =	swait.ge [sflag:s1], $0x8000  }
0x2a3: {  	s2 =	sld [smem:$0x7DD]  }
0x2a4: {  	s31 =	sld [smem:$0x7FD];
	_ =	sdelay $0x1  }
0x2a5: {  	s2 =	sadd.s32 $0x1, s2  }
0x2a6: {  	p0 =	sne.s32 s2, s31  }
.Ltmp2:
0x2a7: {  	_ = 	snop;
	(pc) =	sbr.rel @p0 .LBB2_1-.Ltmp2, $3  }
0x2a8: {  	_ =	sdelay $0x1  }
0x2a9: {  	[sflag:s1] =	ssyncset.done $0x0  }
0x2aa: {  	[sflag:s1] =	ssyncadd.s32 $0xFFFF8000  }
0x2ab: {  	_ =	sfence.sel $0x180000  }
0x2ac: {  	[bflag:$0x0] =	sbarrier.arrive $0xFFFF  }
0x2ad: {  	_ =	strace $0x90000047  }
0x2ae: {  	s0 =	stileid.u32;
	[bflag:$0x2] =	sbarrier.arrive $0xFFFF  }
0x2af: {  	p0 =	sne.s32 s0, $0x0;
	s0 =	rddreg [dreg:$0x3]  }
0x2b0: {  	s0 =	sadd.s32 @!p0 $0x100000, s0  }
0x2b1: {  	[sflag:s0] =	ssyncadd.tile.s32 @!p0 $0x1;
	_ =	shalt  }
.Lfunc_end2:
_tile_overlayer_lowered:
.L_overlay_start_2:
0x2b2: {  	(tag) =	ssettag $0x2  }
0x2b3: {  	s0 =	rddreg [dreg:$0x0];
	s2 =	stileid.u32  }
0x2b4: {  	s1 =	rddreg [dreg:$0x1];
	p0 =	sne.s32 s2, $0x0  }
0x2b5: {  	s3 =	rddreg [dreg:$0x2];
	[bflag:$0x3] =	sbarrier.arrive $0xFFFF;
	s2 =	simm.s32 @!p0 $0x1C03  }
0x2b6: {  	[timem:s3], [sflag:s2] =	dma.local @!p0 [hbm:s0], s1  }
0x2b7: {  	s0 =	simm.s32 @!p0 $0x3  }
0x2b8: {  	_ =	swait.ge @!p0 [sflag:s0], s1  }
0x2b9: {  	s1 =	ssub.s32 @!p0 $0x0, s1;
	[sflag:s0] =	ssyncset.done @!p0 $0x0  }
0x2ba: {  	[sflag:s0] =	ssyncadd.s32 @!p0 s1  }
0x2bb: {  	[bflag:$0x3] =	sbarrier.arrive $0xFFFF  }
0x2bc: {  	_ =	shalt  }

</sc_bundles>
